<compile_context>
chip_gen: v7x
topology: tpu7x:2x2x1
jax: 0.10.2.dev20260603
libtpu: 0.0.44.dev20260713+nightly
codegen_flags: <defaults>
</compile_context>

<pallas_src>
import functools

import jax
import jax.numpy as jnp
from jax import lax
from jax.experimental import pallas as pl
from jax.experimental.pallas import tpu as pltpu
from jax.experimental.pallas import tpu_sc as plsc

_GAMMA = 12.0
_BATCH = 16384
_DIM = 32
_NC = 2
_NS = 16
_NW = _NC * _NS
_BPW = _BATCH // _NW
_CHUNK = 128
_NCHUNK = _BPW // _CHUNK


def _sc_body(hi_hbm, ri_hbm, ti_hbm, ent_hbm, rel_hbm, out_hbm,
             idxh, idxr, idxt, rh, rr, rt, outv, sem):
    wid = lax.axis_index("s") * _NC + lax.axis_index("c")
    base = wid * _BPW

    pltpu.sync_copy(hi_hbm.at[wid], idxh)
    pltpu.sync_copy(ri_hbm.at[wid], idxr)
    pltpu.sync_copy(ti_hbm.at[wid], idxt)

    copies = []
    for j in range(_NCHUNK):
        rows = pl.ds(j * _CHUNK, _CHUNK)
        copies.append(pltpu.async_copy(ent_hbm.at[idxh.at[j]], rh.at[rows], sem))
        copies.append(pltpu.async_copy(rel_hbm.at[idxr.at[j]], rr.at[rows], sem))
        copies.append(pltpu.async_copy(ent_hbm.at[idxt.at[j]], rt.at[rows], sem))
    for c in copies:
        c.wait()

    lanes = lax.iota(jnp.int32, 16)

    def group(g, carry):
        rvec = g * 16 + lanes
        acc = jnp.zeros((16,), jnp.float32)
        for j in range(_DIM):
            cvec = jnp.full((16,), j, jnp.int32)
            h = plsc.load_gather(rh, [rvec, cvec])
            r = plsc.load_gather(rr, [rvec, cvec])
            t = plsc.load_gather(rt, [rvec, cvec])
            acc = acc + jnp.abs(h + r - t)
        outv[pl.ds(g * 16, 16)] = _GAMMA - acc
        return carry

    lax.fori_loop(0, _BPW // 16, group, 0)

    pltpu.sync_copy(outv, out_hbm.at[pl.ds(base, _BPW)])


_mesh = plsc.VectorSubcoreMesh(core_axis_name="c", subcore_axis_name="s")

_sc_kernel = functools.partial(
    pl.kernel,
    mesh=_mesh,
    out_type=jax.ShapeDtypeStruct((_BATCH,), jnp.float32),
    scratch_types=[
        pltpu.VMEM((_NCHUNK, _CHUNK), jnp.int32),
        pltpu.VMEM((_NCHUNK, _CHUNK), jnp.int32),
        pltpu.VMEM((_NCHUNK, _CHUNK), jnp.int32),
        pltpu.VMEM((_BPW, _DIM), jnp.float32),
        pltpu.VMEM((_BPW, _DIM), jnp.float32),
        pltpu.VMEM((_BPW, _DIM), jnp.float32),
        pltpu.VMEM((_BPW,), jnp.float32),
        pltpu.SemaphoreType.DMA,
    ],
    compiler_params=pltpu.CompilerParams(
        needs_layout_passes=False, use_tc_tiling_on_sc=False),
)(_sc_body)


def kernel(sample, entity_embedding, relation_embedding):
    heads = sample[:, 0].reshape(_NW, _NCHUNK, _CHUNK)
    rels = sample[:, 1].reshape(_NW, _NCHUNK, _CHUNK)
    tails = sample[:, 2].reshape(_NW, _NCHUNK, _CHUNK)
    score = _sc_kernel(heads, rels, tails, entity_embedding, relation_embedding)
    return score.reshape(_BATCH, 1)

# --- scband reference (transcript-rebuilt; emitter-appended) ---
"""Pipeline reference for scband-kgemodel-21277267985145 (READ-ONLY COPY).

The authoritative reference and input builder live on the scoring server;
editing this copy changes nothing except your own understanding.
"""

import jax, jax.numpy as jnp
import numpy as np

NENTITY = 1000000
NRELATION = 1000000
HIDDEN_DIM = 32
GAMMA = 12.0
EPSILON = 2.0
EMB_RANGE = (GAMMA + EPSILON) / HIDDEN_DIM
BATCH = 16384


def setup_inputs(seed: int = 0) -> dict:
    key = jax.random.key(seed)
    k1, k2, k3 = jax.random.split(key, 3)
    sample = jax.random.randint(k1, (BATCH, 3), 0, NENTITY, dtype=jnp.int32)
    entity_embedding = jax.random.uniform(
        k2, (NENTITY, HIDDEN_DIM), dtype=jnp.float32,
        minval=-EMB_RANGE, maxval=EMB_RANGE)
    relation_embedding = jax.random.uniform(
        k3, (NRELATION, HIDDEN_DIM), dtype=jnp.float32,
        minval=-EMB_RANGE, maxval=EMB_RANGE)
    return {
        "sample": sample,
        "entity_embedding": entity_embedding,
        "relation_embedding": relation_embedding,
    }


def reference(sample, entity_embedding, relation_embedding):
    # mode == 'single'
    head = jnp.take(entity_embedding, sample[:, 0], axis=0)[:, None, :]
    relation = jnp.take(relation_embedding, sample[:, 1], axis=0)[:, None, :]
    tail = jnp.take(entity_embedding, sample[:, 2], axis=0)[:, None, :]
    # TransE score: gamma - ||h + r - t||_1
    score = head + relation - tail
    score = GAMMA - jnp.sum(jnp.abs(score), axis=2)
    return score

if __name__ == "__main__":
    import jax
    _d = setup_inputs()
    print(jax.jit(kernel)(*tuple(_d.values())))

</pallas_src>

<mosaic_0001>
#map = affine_map<(d0, d1) -> (0, 0, 0)>
#map1 = affine_map<(d0, d1) -> (0, 0)>
#map2 = affine_map<(d0, d1) -> (0)>
module attributes {stable_mosaic.version = 14 : i64} {
  func.func @_sc_body(%arg0: i32, %arg1: i32, %arg2: memref<32x4x128xi32, #tpu.memory_space<hbm>>, %arg3: memref<32x4x128xi32, #tpu.memory_space<hbm>>, %arg4: memref<32x4x128xi32, #tpu.memory_space<hbm>>, %arg5: memref<1000000x32xf32, #tpu.memory_space<hbm>>, %arg6: memref<1000000x32xf32, #tpu.memory_space<hbm>>, %arg7: memref<16384xf32, #tpu.memory_space<hbm>>, %arg8: memref<4x128xi32, #tpu.memory_space<vmem>>, %arg9: memref<4x128xi32, #tpu.memory_space<vmem>>, %arg10: memref<4x128xi32, #tpu.memory_space<vmem>>, %arg11: memref<512x32xf32, #tpu.memory_space<vmem>>, %arg12: memref<512x32xf32, #tpu.memory_space<vmem>>, %arg13: memref<512x32xf32, #tpu.memory_space<vmem>>, %arg14: memref<512xf32, #tpu.memory_space<vmem>>, %arg15: memref<!tpu.dma_semaphore, #tpu.memory_space<semaphore_mem>>) attributes {dimension_semantics = [#tpu.dimension_semantics<core_parallel>, #tpu.dimension_semantics<subcore_parallel>], iteration_bounds = array<i64: 2, 16>, scalar_prefetch = 0 : i64, scratch_operands = 8 : i64, tpu.core_type = #tpu.core_type<sc_vector_subcore>, window_params = [{transform_indices = #map}, {transform_indices = #map}, {transform_indices = #map}, {transform_indices = #map1}, {transform_indices = #map1}, {transform_indices = #map2}]} {
    %mul3A = arith.constant 2 : i32
    %mul3A_0 = arith.muli %arg1, %mul3A : i32
    %add3A = arith.addi %mul3A_0, %arg0 : i32
    %mul3A_1 = arith.constant 512 : i32
    %mul3A_2 = arith.muli %add3A, %mul3A_1 : i32
    "tpu.region"() ({
      %run_scoped3A = tpu.sem_alloc : memref<!tpu.dma_semaphore, #tpu.memory_space<semaphore_mem>>
      %dma_start3A_246 = arith.constant 0 : i32
      %dma_start3A_247 = arith.constant 0 : i32
      %dma_start3A_248 = tpu.memref_slice %arg2[%add3A, %dma_start3A_246, %dma_start3A_247] : memref<32x4x128xi32, #tpu.memory_space<hbm>> -> memref<1x4x128xi32, #tpu.memory_space<hbm>>
      %dma_start3A_249 = tpu.memref_squeeze %dma_start3A_248 : memref<1x4x128xi32, #tpu.memory_space<hbm>> -> memref<4x128xi32, #tpu.memory_space<hbm>>
      %dma_start3A_250 = arith.constant 0 : i32
      %dma_start3A_251 = arith.constant 0 : i32
      %dma_start3A_252 = tpu.memref_slice %arg2[%add3A, %dma_start3A_250, %dma_start3A_251] : memref<32x4x128xi32, #tpu.memory_space<hbm>> -> memref<1x4x128xi32, #tpu.memory_space<hbm>>
      %dma_start3A_253 = tpu.memref_squeeze %dma_start3A_252 : memref<1x4x128xi32, #tpu.memory_space<hbm>> -> memref<4x128xi32, #tpu.memory_space<hbm>>
      tpu.enqueue_dma source(%dma_start3A_253 : memref<4x128xi32, #tpu.memory_space<hbm>>) target(%arg8 : memref<4x128xi32, #tpu.memory_space<vmem>>) target_semaphore(%run_scoped3A : memref<!tpu.dma_semaphore, #tpu.memory_space<semaphore_mem>>)
      %dma_wait3A_254 = arith.constant 0 : i32
      %dma_wait3A_255 = arith.constant 0 : i32
      %dma_wait3A_256 = tpu.memref_slice %arg2[%add3A, %dma_wait3A_254, %dma_wait3A_255] : memref<32x4x128xi32, #tpu.memory_space<hbm>> -> memref<1x4x128xi32, #tpu.memory_space<hbm>>
      %dma_wait3A_257 = tpu.memref_squeeze %dma_wait3A_256 : memref<1x4x128xi32, #tpu.memory_space<hbm>> -> memref<4x128xi32, #tpu.memory_space<hbm>>
      %dma_wait3A_258 = arith.constant 0 : i32
      %dma_wait3A_259 = arith.constant 0 : i32
      %dma_wait3A_260 = tpu.memref_slice %arg2[%add3A, %dma_wait3A_258, %dma_wait3A_259] : memref<32x4x128xi32, #tpu.memory_space<hbm>> -> memref<1x4x128xi32, #tpu.memory_space<hbm>>
      %dma_wait3A_261 = tpu.memref_squeeze %dma_wait3A_260 : memref<1x4x128xi32, #tpu.memory_space<hbm>> -> memref<4x128xi32, #tpu.memory_space<hbm>>
      tpu.wait_dma2 semaphore(%run_scoped3A : memref<!tpu.dma_semaphore, #tpu.memory_space<semaphore_mem>>) src(%dma_wait3A_261 : memref<4x128xi32, #tpu.memory_space<hbm>>) dst(%arg8 : memref<4x128xi32, #tpu.memory_space<vmem>>)
      tpu.yield
    }) : () -> ()
    "tpu.region"() ({
      %run_scoped3A = tpu.sem_alloc : memref<!tpu.dma_semaphore, #tpu.memory_space<semaphore_mem>>
      %dma_start3A_246 = arith.constant 0 : i32
      %dma_start3A_247 = arith.constant 0 : i32
      %dma_start3A_248 = tpu.memref_slice %arg3[%add3A, %dma_start3A_246, %dma_start3A_247] : memref<32x4x128xi32, #tpu.memory_space<hbm>> -> memref<1x4x128xi32, #tpu.memory_space<hbm>>
      %dma_start3A_249 = tpu.memref_squeeze %dma_start3A_248 : memref<1x4x128xi32, #tpu.memory_space<hbm>> -> memref<4x128xi32, #tpu.memory_space<hbm>>
      %dma_start3A_250 = arith.constant 0 : i32
      %dma_start3A_251 = arith.constant 0 : i32
      %dma_start3A_252 = tpu.memref_slice %arg3[%add3A, %dma_start3A_250, %dma_start3A_251] : memref<32x4x128xi32, #tpu.memory_space<hbm>> -> memref<1x4x128xi32, #tpu.memory_space<hbm>>
      %dma_start3A_253 = tpu.memref_squeeze %dma_start3A_252 : memref<1x4x128xi32, #tpu.memory_space<hbm>> -> memref<4x128xi32, #tpu.memory_space<hbm>>
      tpu.enqueue_dma source(%dma_start3A_253 : memref<4x128xi32, #tpu.memory_space<hbm>>) target(%arg9 : memref<4x128xi32, #tpu.memory_space<vmem>>) target_semaphore(%run_scoped3A : memref<!tpu.dma_semaphore, #tpu.memory_space<semaphore_mem>>)
      %dma_wait3A_254 = arith.constant 0 : i32
      %dma_wait3A_255 = arith.constant 0 : i32
      %dma_wait3A_256 = tpu.memref_slice %arg3[%add3A, %dma_wait3A_254, %dma_wait3A_255] : memref<32x4x128xi32, #tpu.memory_space<hbm>> -> memref<1x4x128xi32, #tpu.memory_space<hbm>>
      %dma_wait3A_257 = tpu.memref_squeeze %dma_wait3A_256 : memref<1x4x128xi32, #tpu.memory_space<hbm>> -> memref<4x128xi32, #tpu.memory_space<hbm>>
      %dma_wait3A_258 = arith.constant 0 : i32
      %dma_wait3A_259 = arith.constant 0 : i32
      %dma_wait3A_260 = tpu.memref_slice %arg3[%add3A, %dma_wait3A_258, %dma_wait3A_259] : memref<32x4x128xi32, #tpu.memory_space<hbm>> -> memref<1x4x128xi32, #tpu.memory_space<hbm>>
      %dma_wait3A_261 = tpu.memref_squeeze %dma_wait3A_260 : memref<1x4x128xi32, #tpu.memory_space<hbm>> -> memref<4x128xi32, #tpu.memory_space<hbm>>
      tpu.wait_dma2 semaphore(%run_scoped3A : memref<!tpu.dma_semaphore, #tpu.memory_space<semaphore_mem>>) src(%dma_wait3A_261 : memref<4x128xi32, #tpu.memory_space<hbm>>) dst(%arg9 : memref<4x128xi32, #tpu.memory_space<vmem>>)
      tpu.yield
    }) : () -> ()
    "tpu.region"() ({
      %run_scoped3A = tpu.sem_alloc : memref<!tpu.dma_semaphore, #tpu.memory_space<semaphore_mem>>
      %dma_start3A_246 = arith.constant 0 : i32
      %dma_start3A_247 = arith.constant 0 : i32
      %dma_start3A_248 = tpu.memref_slice %arg4[%add3A, %dma_start3A_246, %dma_start3A_247] : memref<32x4x128xi32, #tpu.memory_space<hbm>> -> memref<1x4x128xi32, #tpu.memory_space<hbm>>
      %dma_start3A_249 = tpu.memref_squeeze %dma_start3A_248 : memref<1x4x128xi32, #tpu.memory_space<hbm>> -> memref<4x128xi32, #tpu.memory_space<hbm>>
      %dma_start3A_250 = arith.constant 0 : i32
      %dma_start3A_251 = arith.constant 0 : i32
      %dma_start3A_252 = tpu.memref_slice %arg4[%add3A, %dma_start3A_250, %dma_start3A_251] : memref<32x4x128xi32, #tpu.memory_space<hbm>> -> memref<1x4x128xi32, #tpu.memory_space<hbm>>
      %dma_start3A_253 = tpu.memref_squeeze %dma_start3A_252 : memref<1x4x128xi32, #tpu.memory_space<hbm>> -> memref<4x128xi32, #tpu.memory_space<hbm>>
      tpu.enqueue_dma source(%dma_start3A_253 : memref<4x128xi32, #tpu.memory_space<hbm>>) target(%arg10 : memref<4x128xi32, #tpu.memory_space<vmem>>) target_semaphore(%run_scoped3A : memref<!tpu.dma_semaphore, #tpu.memory_space<semaphore_mem>>)
      %dma_wait3A_254 = arith.constant 0 : i32
      %dma_wait3A_255 = arith.constant 0 : i32
      %dma_wait3A_256 = tpu.memref_slice %arg4[%add3A, %dma_wait3A_254, %dma_wait3A_255] : memref<32x4x128xi32, #tpu.memory_space<hbm>> -> memref<1x4x128xi32, #tpu.memory_space<hbm>>
      %dma_wait3A_257 = tpu.memref_squeeze %dma_wait3A_256 : memref<1x4x128xi32, #tpu.memory_space<hbm>> -> memref<4x128xi32, #tpu.memory_space<hbm>>
      %dma_wait3A_258 = arith.constant 0 : i32
      %dma_wait3A_259 = arith.constant 0 : i32
      %dma_wait3A_260 = tpu.memref_slice %arg4[%add3A, %dma_wait3A_258, %dma_wait3A_259] : memref<32x4x128xi32, #tpu.memory_space<hbm>> -> memref<1x4x128xi32, #tpu.memory_space<hbm>>
      %dma_wait3A_261 = tpu.memref_squeeze %dma_wait3A_260 : memref<1x4x128xi32, #tpu.memory_space<hbm>> -> memref<4x128xi32, #tpu.memory_space<hbm>>
      tpu.wait_dma2 semaphore(%run_scoped3A : memref<!tpu.dma_semaphore, #tpu.memory_space<semaphore_mem>>) src(%dma_wait3A_261 : memref<4x128xi32, #tpu.memory_space<hbm>>) dst(%arg10 : memref<4x128xi32, #tpu.memory_space<vmem>>)
      tpu.yield
    }) : () -> ()
    %dma_start3A = arith.constant 0 : i32
    %dma_start3A_3 = arith.constant 0 : i32
    %dma_start3A_4 = arith.constant 0 : i32
    %dma_start3A_5 = tpu.memref_slice %arg11[%dma_start3A_3, %dma_start3A_4] : memref<512x32xf32, #tpu.memory_space<vmem>> -> memref<128x32xf32, #tpu.memory_space<vmem>>
    %dma_start3A_6 = arith.constant 0 : i32
    %dma_start3A_7 = tpu.memref_slice %arg8[%dma_start3A, %dma_start3A_6] : memref<4x128xi32, #tpu.memory_space<vmem>> -> memref<1x128xi32, #tpu.memory_space<vmem>>
    %dma_start3A_8 = tpu.memref_squeeze %dma_start3A_7 : memref<1x128xi32, #tpu.memory_space<vmem>> -> memref<128xi32, #tpu.memory_space<vmem>>
    %dma_start3A_9 = arith.constant 0 : i32
    %dma_start3A_10 = arith.constant 0 : i32
    %dma_start3A_11 = tpu.memref_slice %arg5[%dma_start3A_9, %dma_start3A_10] : memref<1000000x32xf32, #tpu.memory_space<hbm>> -> memref<1000000x32xf32, #tpu.memory_space<hbm>>
    tpu.enqueue_indirect_dma source(%dma_start3A_11 : memref<1000000x32xf32, #tpu.memory_space<hbm>>) target(%dma_start3A_5 : memref<128x32xf32, #tpu.memory_space<vmem>>) offsets(%dma_start3A_8 : memref<128xi32, #tpu.memory_space<vmem>>) semaphore(%arg15 : memref<!tpu.dma_semaphore, #tpu.memory_space<semaphore_mem>>)
    %dma_start3A_12 = arith.constant 0 : i32
    %dma_start3A_13 = arith.constant 0 : i32
    %dma_start3A_14 = arith.constant 0 : i32
    %dma_start3A_15 = tpu.memref_slice %arg12[%dma_start3A_13, %dma_start3A_14] : memref<512x32xf32, #tpu.memory_space<vmem>> -> memref<128x32xf32, #tpu.memory_space<vmem>>
    %dma_start3A_16 = arith.constant 0 : i32
    %dma_start3A_17 = tpu.memref_slice %arg9[%dma_start3A_12, %dma_start3A_16] : memref<4x128xi32, #tpu.memory_space<vmem>> -> memref<1x128xi32, #tpu.memory_space<vmem>>
    %dma_start3A_18 = tpu.memref_squeeze %dma_start3A_17 : memref<1x128xi32, #tpu.memory_space<vmem>> -> memref<128xi32, #tpu.memory_space<vmem>>
    %dma_start3A_19 = arith.constant 0 : i32
    %dma_start3A_20 = arith.constant 0 : i32
    %dma_start3A_21 = tpu.memref_slice %arg6[%dma_start3A_19, %dma_start3A_20] : memref<1000000x32xf32, #tpu.memory_space<hbm>> -> memref<1000000x32xf32, #tpu.memory_space<hbm>>
    tpu.enqueue_indirect_dma source(%dma_start3A_21 : memref<1000000x32xf32, #tpu.memory_space<hbm>>) target(%dma_start3A_15 : memref<128x32xf32, #tpu.memory_space<vmem>>) offsets(%dma_start3A_18 : memref<128xi32, #tpu.memory_space<vmem>>) semaphore(%arg15 : memref<!tpu.dma_semaphore, #tpu.memory_space<semaphore_mem>>)
    %dma_start3A_22 = arith.constant 0 : i32
    %dma_start3A_23 = arith.constant 0 : i32
    %dma_start3A_24 = arith.constant 0 : i32
    %dma_start3A_25 = tpu.memref_slice %arg13[%dma_start3A_23, %dma_start3A_24] : memref<512x32xf32, #tpu.memory_space<vmem>> -> memref<128x32xf32, #tpu.memory_space<vmem>>
    %dma_start3A_26 = arith.constant 0 : i32
    %dma_start3A_27 = tpu.memref_slice %arg10[%dma_start3A_22, %dma_start3A_26] : memref<4x128xi32, #tpu.memory_space<vmem>> -> memref<1x128xi32, #tpu.memory_space<vmem>>
    %dma_start3A_28 = tpu.memref_squeeze %dma_start3A_27 : memref<1x128xi32, #tpu.memory_space<vmem>> -> memref<128xi32, #tpu.memory_space<vmem>>
    %dma_start3A_29 = arith.constant 0 : i32
    %dma_start3A_30 = arith.constant 0 : i32
    %dma_start3A_31 = tpu.memref_slice %arg5[%dma_start3A_29, %dma_start3A_30] : memref<1000000x32xf32, #tpu.memory_space<hbm>> -> memref<1000000x32xf32, #tpu.memory_space<hbm>>
    tpu.enqueue_indirect_dma source(%dma_start3A_31 : memref<1000000x32xf32, #tpu.memory_space<hbm>>) target(%dma_start3A_25 : memref<128x32xf32, #tpu.memory_space<vmem>>) offsets(%dma_start3A_28 : memref<128xi32, #tpu.memory_space<vmem>>) semaphore(%arg15 : memref<!tpu.dma_semaphore, #tpu.memory_space<semaphore_mem>>)
    %dma_start3A_32 = arith.constant 1 : i32
    %dma_start3A_33 = arith.constant 128 : i32
    %dma_start3A_34 = arith.constant 0 : i32
    %dma_start3A_35 = tpu.memref_slice %arg11[%dma_start3A_33, %dma_start3A_34] : memref<512x32xf32, #tpu.memory_space<vmem>> -> memref<128x32xf32, #tpu.memory_space<vmem>>
    %dma_start3A_36 = arith.constant 0 : i32
    %dma_start3A_37 = tpu.memref_slice %arg8[%dma_start3A_32, %dma_start3A_36] : memref<4x128xi32, #tpu.memory_space<vmem>> -> memref<1x128xi32, #tpu.memory_space<vmem>>
    %dma_start3A_38 = tpu.memref_squeeze %dma_start3A_37 : memref<1x128xi32, #tpu.memory_space<vmem>> -> memref<128xi32, #tpu.memory_space<vmem>>
    %dma_start3A_39 = arith.constant 0 : i32
    %dma_start3A_40 = arith.constant 0 : i32
    %dma_start3A_41 = tpu.memref_slice %arg5[%dma_start3A_39, %dma_start3A_40] : memref<1000000x32xf32, #tpu.memory_space<hbm>> -> memref<1000000x32xf32, #tpu.memory_space<hbm>>
    tpu.enqueue_indirect_dma source(%dma_start3A_41 : memref<1000000x32xf32, #tpu.memory_space<hbm>>) target(%dma_start3A_35 : memref<128x32xf32, #tpu.memory_space<vmem>>) offsets(%dma_start3A_38 : memref<128xi32, #tpu.memory_space<vmem>>) semaphore(%arg15 : memref<!tpu.dma_semaphore, #tpu.memory_space<semaphore_mem>>)
    %dma_start3A_42 = arith.constant 1 : i32
    %dma_start3A_43 = arith.constant 128 : i32
    %dma_start3A_44 = arith.constant 0 : i32
    %dma_start3A_45 = tpu.memref_slice %arg12[%dma_start3A_43, %dma_start3A_44] : memref<512x32xf32, #tpu.memory_space<vmem>> -> memref<128x32xf32, #tpu.memory_space<vmem>>
    %dma_start3A_46 = arith.constant 0 : i32
    %dma_start3A_47 = tpu.memref_slice %arg9[%dma_start3A_42, %dma_start3A_46] : memref<4x128xi32, #tpu.memory_space<vmem>> -> memref<1x128xi32, #tpu.memory_space<vmem>>
    %dma_start3A_48 = tpu.memref_squeeze %dma_start3A_47 : memref<1x128xi32, #tpu.memory_space<vmem>> -> memref<128xi32, #tpu.memory_space<vmem>>
    %dma_start3A_49 = arith.constant 0 : i32
    %dma_start3A_50 = arith.constant 0 : i32
    %dma_start3A_51 = tpu.memref_slice %arg6[%dma_start3A_49, %dma_start3A_50] : memref<1000000x32xf32, #tpu.memory_space<hbm>> -> memref<1000000x32xf32, #tpu.memory_space<hbm>>
    tpu.enqueue_indirect_dma source(%dma_start3A_51 : memref<1000000x32xf32, #tpu.memory_space<hbm>>) target(%dma_start3A_45 : memref<128x32xf32, #tpu.memory_space<vmem>>) offsets(%dma_start3A_48 : memref<128xi32, #tpu.memory_space<vmem>>) semaphore(%arg15 : memref<!tpu.dma_semaphore, #tpu.memory_space<semaphore_mem>>)
    %dma_start3A_52 = arith.constant 1 : i32
    %dma_start3A_53 = arith.constant 128 : i32
    %dma_start3A_54 = arith.constant 0 : i32
    %dma_start3A_55 = tpu.memref_slice %arg13[%dma_start3A_53, %dma_start3A_54] : memref<512x32xf32, #tpu.memory_space<vmem>> -> memref<128x32xf32, #tpu.memory_space<vmem>>
    %dma_start3A_56 = arith.constant 0 : i32
    %dma_start3A_57 = tpu.memref_slice %arg10[%dma_start3A_52, %dma_start3A_56] : memref<4x128xi32, #tpu.memory_space<vmem>> -> memref<1x128xi32, #tpu.memory_space<vmem>>
    %dma_start3A_58 = tpu.memref_squeeze %dma_start3A_57 : memref<1x128xi32, #tpu.memory_space<vmem>> -> memref<128xi32, #tpu.memory_space<vmem>>
    %dma_start3A_59 = arith.constant 0 : i32
    %dma_start3A_60 = arith.constant 0 : i32
    %dma_start3A_61 = tpu.memref_slice %arg5[%dma_start3A_59, %dma_start3A_60] : memref<1000000x32xf32, #tpu.memory_space<hbm>> -> memref<1000000x32xf32, #tpu.memory_space<hbm>>
    tpu.enqueue_indirect_dma source(%dma_start3A_61 : memref<1000000x32xf32, #tpu.memory_space<hbm>>) target(%dma_start3A_55 : memref<128x32xf32, #tpu.memory_space<vmem>>) offsets(%dma_start3A_58 : memref<128xi32, #tpu.memory_space<vmem>>) semaphore(%arg15 : memref<!tpu.dma_semaphore, #tpu.memory_space<semaphore_mem>>)
    %dma_start3A_62 = arith.constant 2 : i32
    %dma_start3A_63 = arith.constant 256 : i32
    %dma_start3A_64 = arith.constant 0 : i32
    %dma_start3A_65 = tpu.memref_slice %arg11[%dma_start3A_63, %dma_start3A_64] : memref<512x32xf32, #tpu.memory_space<vmem>> -> memref<128x32xf32, #tpu.memory_space<vmem>>
    %dma_start3A_66 = arith.constant 0 : i32
    %dma_start3A_67 = tpu.memref_slice %arg8[%dma_start3A_62, %dma_start3A_66] : memref<4x128xi32, #tpu.memory_space<vmem>> -> memref<1x128xi32, #tpu.memory_space<vmem>>
    %dma_start3A_68 = tpu.memref_squeeze %dma_start3A_67 : memref<1x128xi32, #tpu.memory_space<vmem>> -> memref<128xi32, #tpu.memory_space<vmem>>
    %dma_start3A_69 = arith.constant 0 : i32
    %dma_start3A_70 = arith.constant 0 : i32
    %dma_start3A_71 = tpu.memref_slice %arg5[%dma_start3A_69, %dma_start3A_70] : memref<1000000x32xf32, #tpu.memory_space<hbm>> -> memref<1000000x32xf32, #tpu.memory_space<hbm>>
    tpu.enqueue_indirect_dma source(%dma_start3A_71 : memref<1000000x32xf32, #tpu.memory_space<hbm>>) target(%dma_start3A_65 : memref<128x32xf32, #tpu.memory_space<vmem>>) offsets(%dma_start3A_68 : memref<128xi32, #tpu.memory_space<vmem>>) semaphore(%arg15 : memref<!tpu.dma_semaphore, #tpu.memory_space<semaphore_mem>>)
    %dma_start3A_72 = arith.constant 2 : i32
    %dma_start3A_73 = arith.constant 256 : i32
    %dma_start3A_74 = arith.constant 0 : i32
    %dma_start3A_75 = tpu.memref_slice %arg12[%dma_start3A_73, %dma_start3A_74] : memref<512x32xf32, #tpu.memory_space<vmem>> -> memref<128x32xf32, #tpu.memory_space<vmem>>
    %dma_start3A_76 = arith.constant 0 : i32
    %dma_start3A_77 = tpu.memref_slice %arg9[%dma_start3A_72, %dma_start3A_76] : memref<4x128xi32, #tpu.memory_space<vmem>> -> memref<1x128xi32, #tpu.memory_space<vmem>>
    %dma_start3A_78 = tpu.memref_squeeze %dma_start3A_77 : memref<1x128xi32, #tpu.memory_space<vmem>> -> memref<128xi32, #tpu.memory_space<vmem>>
    %dma_start3A_79 = arith.constant 0 : i32
    %dma_start3A_80 = arith.constant 0 : i32
    %dma_start3A_81 = tpu.memref_slice %arg6[%dma_start3A_79, %dma_start3A_80] : memref<1000000x32xf32, #tpu.memory_space<hbm>> -> memref<1000000x32xf32, #tpu.memory_space<hbm>>
    tpu.enqueue_indirect_dma source(%dma_start3A_81 : memref<1000000x32xf32, #tpu.memory_space<hbm>>) target(%dma_start3A_75 : memref<128x32xf32, #tpu.memory_space<vmem>>) offsets(%dma_start3A_78 : memref<128xi32, #tpu.memory_space<vmem>>) semaphore(%arg15 : memref<!tpu.dma_semaphore, #tpu.memory_space<semaphore_mem>>)
    %dma_start3A_82 = arith.constant 2 : i32
    %dma_start3A_83 = arith.constant 256 : i32
    %dma_start3A_84 = arith.constant 0 : i32
    %dma_start3A_85 = tpu.memref_slice %arg13[%dma_start3A_83, %dma_start3A_84] : memref<512x32xf32, #tpu.memory_space<vmem>> -> memref<128x32xf32, #tpu.memory_space<vmem>>
    %dma_start3A_86 = arith.constant 0 : i32
    %dma_start3A_87 = tpu.memref_slice %arg10[%dma_start3A_82, %dma_start3A_86] : memref<4x128xi32, #tpu.memory_space<vmem>> -> memref<1x128xi32, #tpu.memory_space<vmem>>
    %dma_start3A_88 = tpu.memref_squeeze %dma_start3A_87 : memref<1x128xi32, #tpu.memory_space<vmem>> -> memref<128xi32, #tpu.memory_space<vmem>>
    %dma_start3A_89 = arith.constant 0 : i32
    %dma_start3A_90 = arith.constant 0 : i32
    %dma_start3A_91 = tpu.memref_slice %arg5[%dma_start3A_89, %dma_start3A_90] : memref<1000000x32xf32, #tpu.memory_space<hbm>> -> memref<1000000x32xf32, #tpu.memory_space<hbm>>
    tpu.enqueue_indirect_dma source(%dma_start3A_91 : memref<1000000x32xf32, #tpu.memory_space<hbm>>) target(%dma_start3A_85 : memref<128x32xf32, #tpu.memory_space<vmem>>) offsets(%dma_start3A_88 : memref<128xi32, #tpu.memory_space<vmem>>) semaphore(%arg15 : memref<!tpu.dma_semaphore, #tpu.memory_space<semaphore_mem>>)
    %dma_start3A_92 = arith.constant 3 : i32
    %dma_start3A_93 = arith.constant 384 : i32
    %dma_start3A_94 = arith.constant 0 : i32
    %dma_start3A_95 = tpu.memref_slice %arg11[%dma_start3A_93, %dma_start3A_94] : memref<512x32xf32, #tpu.memory_space<vmem>> -> memref<128x32xf32, #tpu.memory_space<vmem>>
    %dma_start3A_96 = arith.constant 0 : i32
    %dma_start3A_97 = tpu.memref_slice %arg8[%dma_start3A_92, %dma_start3A_96] : memref<4x128xi32, #tpu.memory_space<vmem>> -> memref<1x128xi32, #tpu.memory_space<vmem>>
    %dma_start3A_98 = tpu.memref_squeeze %dma_start3A_97 : memref<1x128xi32, #tpu.memory_space<vmem>> -> memref<128xi32, #tpu.memory_space<vmem>>
    %dma_start3A_99 = arith.constant 0 : i32
    %dma_start3A_100 = arith.constant 0 : i32
    %dma_start3A_101 = tpu.memref_slice %arg5[%dma_start3A_99, %dma_start3A_100] : memref<1000000x32xf32, #tpu.memory_space<hbm>> -> memref<1000000x32xf32, #tpu.memory_space<hbm>>
    tpu.enqueue_indirect_dma source(%dma_start3A_101 : memref<1000000x32xf32, #tpu.memory_space<hbm>>) target(%dma_start3A_95 : memref<128x32xf32, #tpu.memory_space<vmem>>) offsets(%dma_start3A_98 : memref<128xi32, #tpu.memory_space<vmem>>) semaphore(%arg15 : memref<!tpu.dma_semaphore, #tpu.memory_space<semaphore_mem>>)
    %dma_start3A_102 = arith.constant 3 : i32
    %dma_start3A_103 = arith.constant 384 : i32
    %dma_start3A_104 = arith.constant 0 : i32
    %dma_start3A_105 = tpu.memref_slice %arg12[%dma_start3A_103, %dma_start3A_104] : memref<512x32xf32, #tpu.memory_space<vmem>> -> memref<128x32xf32, #tpu.memory_space<vmem>>
    %dma_start3A_106 = arith.constant 0 : i32
    %dma_start3A_107 = tpu.memref_slice %arg9[%dma_start3A_102, %dma_start3A_106] : memref<4x128xi32, #tpu.memory_space<vmem>> -> memref<1x128xi32, #tpu.memory_space<vmem>>
    %dma_start3A_108 = tpu.memref_squeeze %dma_start3A_107 : memref<1x128xi32, #tpu.memory_space<vmem>> -> memref<128xi32, #tpu.memory_space<vmem>>
    %dma_start3A_109 = arith.constant 0 : i32
    %dma_start3A_110 = arith.constant 0 : i32
    %dma_start3A_111 = tpu.memref_slice %arg6[%dma_start3A_109, %dma_start3A_110] : memref<1000000x32xf32, #tpu.memory_space<hbm>> -> memref<1000000x32xf32, #tpu.memory_space<hbm>>
    tpu.enqueue_indirect_dma source(%dma_start3A_111 : memref<1000000x32xf32, #tpu.memory_space<hbm>>) target(%dma_start3A_105 : memref<128x32xf32, #tpu.memory_space<vmem>>) offsets(%dma_start3A_108 : memref<128xi32, #tpu.memory_space<vmem>>) semaphore(%arg15 : memref<!tpu.dma_semaphore, #tpu.memory_space<semaphore_mem>>)
    %dma_start3A_112 = arith.constant 3 : i32
    %dma_start3A_113 = arith.constant 384 : i32
    %dma_start3A_114 = arith.constant 0 : i32
    %dma_start3A_115 = tpu.memref_slice %arg13[%dma_start3A_113, %dma_start3A_114] : memref<512x32xf32, #tpu.memory_space<vmem>> -> memref<128x32xf32, #tpu.memory_space<vmem>>
    %dma_start3A_116 = arith.constant 0 : i32
    %dma_start3A_117 = tpu.memref_slice %arg10[%dma_start3A_112, %dma_start3A_116] : memref<4x128xi32, #tpu.memory_space<vmem>> -> memref<1x128xi32, #tpu.memory_space<vmem>>
    %dma_start3A_118 = tpu.memref_squeeze %dma_start3A_117 : memref<1x128xi32, #tpu.memory_space<vmem>> -> memref<128xi32, #tpu.memory_space<vmem>>
    %dma_start3A_119 = arith.constant 0 : i32
    %dma_start3A_120 = arith.constant 0 : i32
    %dma_start3A_121 = tpu.memref_slice %arg5[%dma_start3A_119, %dma_start3A_120] : memref<1000000x32xf32, #tpu.memory_space<hbm>> -> memref<1000000x32xf32, #tpu.memory_space<hbm>>
    tpu.enqueue_indirect_dma source(%dma_start3A_121 : memref<1000000x32xf32, #tpu.memory_space<hbm>>) target(%dma_start3A_115 : memref<128x32xf32, #tpu.memory_space<vmem>>) offsets(%dma_start3A_118 : memref<128xi32, #tpu.memory_space<vmem>>) semaphore(%arg15 : memref<!tpu.dma_semaphore, #tpu.memory_space<semaphore_mem>>)
    %dma_wait3A = arith.constant 0 : i32
    %dma_wait3A_122 = arith.constant 0 : i32
    %dma_wait3A_123 = arith.constant 0 : i32
    %dma_wait3A_124 = tpu.memref_slice %arg11[%dma_wait3A_122, %dma_wait3A_123] : memref<512x32xf32, #tpu.memory_space<vmem>> -> memref<128x32xf32, #tpu.memory_space<vmem>>
    %dma_wait3A_125 = arith.constant 0 : i32
    %dma_wait3A_126 = tpu.memref_slice %arg8[%dma_wait3A, %dma_wait3A_125] : memref<4x128xi32, #tpu.memory_space<vmem>> -> memref<1x128xi32, #tpu.memory_space<vmem>>
    %dma_wait3A_127 = tpu.memref_squeeze %dma_wait3A_126 : memref<1x128xi32, #tpu.memory_space<vmem>> -> memref<128xi32, #tpu.memory_space<vmem>>
    %dma_wait3A_128 = arith.constant 0 : i32
    %dma_wait3A_129 = arith.constant 0 : i32
    %dma_wait3A_130 = tpu.memref_slice %arg5[%dma_wait3A_128, %dma_wait3A_129] : memref<1000000x32xf32, #tpu.memory_space<hbm>> -> memref<1000000x32xf32, #tpu.memory_space<hbm>>
    tpu.wait_indirect_dma semaphore(%arg15 : memref<!tpu.dma_semaphore, #tpu.memory_space<semaphore_mem>>) src(%dma_wait3A_130 : memref<1000000x32xf32, #tpu.memory_space<hbm>>) dst(%dma_wait3A_124 : memref<128x32xf32, #tpu.memory_space<vmem>>)
    %dma_wait3A_131 = arith.constant 0 : i32
    %dma_wait3A_132 = arith.constant 0 : i32
    %dma_wait3A_133 = arith.constant 0 : i32
    %dma_wait3A_134 = tpu.memref_slice %arg12[%dma_wait3A_132, %dma_wait3A_133] : memref<512x32xf32, #tpu.memory_space<vmem>> -> memref<128x32xf32, #tpu.memory_space<vmem>>
    %dma_wait3A_135 = arith.constant 0 : i32
    %dma_wait3A_136 = tpu.memref_slice %arg9[%dma_wait3A_131, %dma_wait3A_135] : memref<4x128xi32, #tpu.memory_space<vmem>> -> memref<1x128xi32, #tpu.memory_space<vmem>>
    %dma_wait3A_137 = tpu.memref_squeeze %dma_wait3A_136 : memref<1x128xi32, #tpu.memory_space<vmem>> -> memref<128xi32, #tpu.memory_space<vmem>>
    %dma_wait3A_138 = arith.constant 0 : i32
    %dma_wait3A_139 = arith.constant 0 : i32
    %dma_wait3A_140 = tpu.memref_slice %arg6[%dma_wait3A_138, %dma_wait3A_139] : memref<1000000x32xf32, #tpu.memory_space<hbm>> -> memref<1000000x32xf32, #tpu.memory_space<hbm>>
    tpu.wait_indirect_dma semaphore(%arg15 : memref<!tpu.dma_semaphore, #tpu.memory_space<semaphore_mem>>) src(%dma_wait3A_140 : memref<1000000x32xf32, #tpu.memory_space<hbm>>) dst(%dma_wait3A_134 : memref<128x32xf32, #tpu.memory_space<vmem>>)
    %dma_wait3A_141 = arith.constant 0 : i32
    %dma_wait3A_142 = arith.constant 0 : i32
    %dma_wait3A_143 = arith.constant 0 : i32
    %dma_wait3A_144 = tpu.memref_slice %arg13[%dma_wait3A_142, %dma_wait3A_143] : memref<512x32xf32, #tpu.memory_space<vmem>> -> memref<128x32xf32, #tpu.memory_space<vmem>>
    %dma_wait3A_145 = arith.constant 0 : i32
    %dma_wait3A_146 = tpu.memref_slice %arg10[%dma_wait3A_141, %dma_wait3A_145] : memref<4x128xi32, #tpu.memory_space<vmem>> -> memref<1x128xi32, #tpu.memory_space<vmem>>
    %dma_wait3A_147 = tpu.memref_squeeze %dma_wait3A_146 : memref<1x128xi32, #tpu.memory_space<vmem>> -> memref<128xi32, #tpu.memory_space<vmem>>
    %dma_wait3A_148 = arith.constant 0 : i32
    %dma_wait3A_149 = arith.constant 0 : i32
    %dma_wait3A_150 = tpu.memref_slice %arg5[%dma_wait3A_148, %dma_wait3A_149] : memref<1000000x32xf32, #tpu.memory_space<hbm>> -> memref<1000000x32xf32, #tpu.memory_space<hbm>>
    tpu.wait_indirect_dma semaphore(%arg15 : memref<!tpu.dma_semaphore, #tpu.memory_space<semaphore_mem>>) src(%dma_wait3A_150 : memref<1000000x32xf32, #tpu.memory_space<hbm>>) dst(%dma_wait3A_144 : memref<128x32xf32, #tpu.memory_space<vmem>>)
    %dma_wait3A_151 = arith.constant 1 : i32
    %dma_wait3A_152 = arith.constant 128 : i32
    %dma_wait3A_153 = arith.constant 0 : i32
    %dma_wait3A_154 = tpu.memref_slice %arg11[%dma_wait3A_152, %dma_wait3A_153] : memref<512x32xf32, #tpu.memory_space<vmem>> -> memref<128x32xf32, #tpu.memory_space<vmem>>
    %dma_wait3A_155 = arith.constant 0 : i32
    %dma_wait3A_156 = tpu.memref_slice %arg8[%dma_wait3A_151, %dma_wait3A_155] : memref<4x128xi32, #tpu.memory_space<vmem>> -> memref<1x128xi32, #tpu.memory_space<vmem>>
    %dma_wait3A_157 = tpu.memref_squeeze %dma_wait3A_156 : memref<1x128xi32, #tpu.memory_space<vmem>> -> memref<128xi32, #tpu.memory_space<vmem>>
    %dma_wait3A_158 = arith.constant 0 : i32
    %dma_wait3A_159 = arith.constant 0 : i32
    %dma_wait3A_160 = tpu.memref_slice %arg5[%dma_wait3A_158, %dma_wait3A_159] : memref<1000000x32xf32, #tpu.memory_space<hbm>> -> memref<1000000x32xf32, #tpu.memory_space<hbm>>
    tpu.wait_indirect_dma semaphore(%arg15 : memref<!tpu.dma_semaphore, #tpu.memory_space<semaphore_mem>>) src(%dma_wait3A_160 : memref<1000000x32xf32, #tpu.memory_space<hbm>>) dst(%dma_wait3A_154 : memref<128x32xf32, #tpu.memory_space<vmem>>)
    %dma_wait3A_161 = arith.constant 1 : i32
    %dma_wait3A_162 = arith.constant 128 : i32
    %dma_wait3A_163 = arith.constant 0 : i32
    %dma_wait3A_164 = tpu.memref_slice %arg12[%dma_wait3A_162, %dma_wait3A_163] : memref<512x32xf32, #tpu.memory_space<vmem>> -> memref<128x32xf32, #tpu.memory_space<vmem>>
    %dma_wait3A_165 = arith.constant 0 : i32
    %dma_wait3A_166 = tpu.memref_slice %arg9[%dma_wait3A_161, %dma_wait3A_165] : memref<4x128xi32, #tpu.memory_space<vmem>> -> memref<1x128xi32, #tpu.memory_space<vmem>>
    %dma_wait3A_167 = tpu.memref_squeeze %dma_wait3A_166 : memref<1x128xi32, #tpu.memory_space<vmem>> -> memref<128xi32, #tpu.memory_space<vmem>>
    %dma_wait3A_168 = arith.constant 0 : i32
    %dma_wait3A_169 = arith.constant 0 : i32
    %dma_wait3A_170 = tpu.memref_slice %arg6[%dma_wait3A_168, %dma_wait3A_169] : memref<1000000x32xf32, #tpu.memory_space<hbm>> -> memref<1000000x32xf32, #tpu.memory_space<hbm>>
    tpu.wait_indirect_dma semaphore(%arg15 : memref<!tpu.dma_semaphore, #tpu.memory_space<semaphore_mem>>) src(%dma_wait3A_170 : memref<1000000x32xf32, #tpu.memory_space<hbm>>) dst(%dma_wait3A_164 : memref<128x32xf32, #tpu.memory_space<vmem>>)
    %dma_wait3A_171 = arith.constant 1 : i32
    %dma_wait3A_172 = arith.constant 128 : i32
    %dma_wait3A_173 = arith.constant 0 : i32
    %dma_wait3A_174 = tpu.memref_slice %arg13[%dma_wait3A_172, %dma_wait3A_173] : memref<512x32xf32, #tpu.memory_space<vmem>> -> memref<128x32xf32, #tpu.memory_space<vmem>>
    %dma_wait3A_175 = arith.constant 0 : i32
    %dma_wait3A_176 = tpu.memref_slice %arg10[%dma_wait3A_171, %dma_wait3A_175] : memref<4x128xi32, #tpu.memory_space<vmem>> -> memref<1x128xi32, #tpu.memory_space<vmem>>
    %dma_wait3A_177 = tpu.memref_squeeze %dma_wait3A_176 : memref<1x128xi32, #tpu.memory_space<vmem>> -> memref<128xi32, #tpu.memory_space<vmem>>
    %dma_wait3A_178 = arith.constant 0 : i32
    %dma_wait3A_179 = arith.constant 0 : i32
    %dma_wait3A_180 = tpu.memref_slice %arg5[%dma_wait3A_178, %dma_wait3A_179] : memref<1000000x32xf32, #tpu.memory_space<hbm>> -> memref<1000000x32xf32, #tpu.memory_space<hbm>>
    tpu.wait_indirect_dma semaphore(%arg15 : memref<!tpu.dma_semaphore, #tpu.memory_space<semaphore_mem>>) src(%dma_wait3A_180 : memref<1000000x32xf32, #tpu.memory_space<hbm>>) dst(%dma_wait3A_174 : memref<128x32xf32, #tpu.memory_space<vmem>>)
    %dma_wait3A_181 = arith.constant 2 : i32
    %dma_wait3A_182 = arith.constant 256 : i32
    %dma_wait3A_183 = arith.constant 0 : i32
    %dma_wait3A_184 = tpu.memref_slice %arg11[%dma_wait3A_182, %dma_wait3A_183] : memref<512x32xf32, #tpu.memory_space<vmem>> -> memref<128x32xf32, #tpu.memory_space<vmem>>
    %dma_wait3A_185 = arith.constant 0 : i32
    %dma_wait3A_186 = tpu.memref_slice %arg8[%dma_wait3A_181, %dma_wait3A_185] : memref<4x128xi32, #tpu.memory_space<vmem>> -> memref<1x128xi32, #tpu.memory_space<vmem>>
    %dma_wait3A_187 = tpu.memref_squeeze %dma_wait3A_186 : memref<1x128xi32, #tpu.memory_space<vmem>> -> memref<128xi32, #tpu.memory_space<vmem>>
    %dma_wait3A_188 = arith.constant 0 : i32
    %dma_wait3A_189 = arith.constant 0 : i32
    %dma_wait3A_190 = tpu.memref_slice %arg5[%dma_wait3A_188, %dma_wait3A_189] : memref<1000000x32xf32, #tpu.memory_space<hbm>> -> memref<1000000x32xf32, #tpu.memory_space<hbm>>
    tpu.wait_indirect_dma semaphore(%arg15 : memref<!tpu.dma_semaphore, #tpu.memory_space<semaphore_mem>>) src(%dma_wait3A_190 : memref<1000000x32xf32, #tpu.memory_space<hbm>>) dst(%dma_wait3A_184 : memref<128x32xf32, #tpu.memory_space<vmem>>)
    %dma_wait3A_191 = arith.constant 2 : i32
    %dma_wait3A_192 = arith.constant 256 : i32
    %dma_wait3A_193 = arith.constant 0 : i32
    %dma_wait3A_194 = tpu.memref_slice %arg12[%dma_wait3A_192, %dma_wait3A_193] : memref<512x32xf32, #tpu.memory_space<vmem>> -> memref<128x32xf32, #tpu.memory_space<vmem>>
    %dma_wait3A_195 = arith.constant 0 : i32
    %dma_wait3A_196 = tpu.memref_slice %arg9[%dma_wait3A_191, %dma_wait3A_195] : memref<4x128xi32, #tpu.memory_space<vmem>> -> memref<1x128xi32, #tpu.memory_space<vmem>>
    %dma_wait3A_197 = tpu.memref_squeeze %dma_wait3A_196 : memref<1x128xi32, #tpu.memory_space<vmem>> -> memref<128xi32, #tpu.memory_space<vmem>>
    %dma_wait3A_198 = arith.constant 0 : i32
    %dma_wait3A_199 = arith.constant 0 : i32
    %dma_wait3A_200 = tpu.memref_slice %arg6[%dma_wait3A_198, %dma_wait3A_199] : memref<1000000x32xf32, #tpu.memory_space<hbm>> -> memref<1000000x32xf32, #tpu.memory_space<hbm>>
    tpu.wait_indirect_dma semaphore(%arg15 : memref<!tpu.dma_semaphore, #tpu.memory_space<semaphore_mem>>) src(%dma_wait3A_200 : memref<1000000x32xf32, #tpu.memory_space<hbm>>) dst(%dma_wait3A_194 : memref<128x32xf32, #tpu.memory_space<vmem>>)
    %dma_wait3A_201 = arith.constant 2 : i32
    %dma_wait3A_202 = arith.constant 256 : i32
    %dma_wait3A_203 = arith.constant 0 : i32
    %dma_wait3A_204 = tpu.memref_slice %arg13[%dma_wait3A_202, %dma_wait3A_203] : memref<512x32xf32, #tpu.memory_space<vmem>> -> memref<128x32xf32, #tpu.memory_space<vmem>>
    %dma_wait3A_205 = arith.constant 0 : i32
    %dma_wait3A_206 = tpu.memref_slice %arg10[%dma_wait3A_201, %dma_wait3A_205] : memref<4x128xi32, #tpu.memory_space<vmem>> -> memref<1x128xi32, #tpu.memory_space<vmem>>
    %dma_wait3A_207 = tpu.memref_squeeze %dma_wait3A_206 : memref<1x128xi32, #tpu.memory_space<vmem>> -> memref<128xi32, #tpu.memory_space<vmem>>
    %dma_wait3A_208 = arith.constant 0 : i32
    %dma_wait3A_209 = arith.constant 0 : i32
    %dma_wait3A_210 = tpu.memref_slice %arg5[%dma_wait3A_208, %dma_wait3A_209] : memref<1000000x32xf32, #tpu.memory_space<hbm>> -> memref<1000000x32xf32, #tpu.memory_space<hbm>>
    tpu.wait_indirect_dma semaphore(%arg15 : memref<!tpu.dma_semaphore, #tpu.memory_space<semaphore_mem>>) src(%dma_wait3A_210 : memref<1000000x32xf32, #tpu.memory_space<hbm>>) dst(%dma_wait3A_204 : memref<128x32xf32, #tpu.memory_space<vmem>>)
    %dma_wait3A_211 = arith.constant 3 : i32
    %dma_wait3A_212 = arith.constant 384 : i32
    %dma_wait3A_213 = arith.constant 0 : i32
    %dma_wait3A_214 = tpu.memref_slice %arg11[%dma_wait3A_212, %dma_wait3A_213] : memref<512x32xf32, #tpu.memory_space<vmem>> -> memref<128x32xf32, #tpu.memory_space<vmem>>
    %dma_wait3A_215 = arith.constant 0 : i32
    %dma_wait3A_216 = tpu.memref_slice %arg8[%dma_wait3A_211, %dma_wait3A_215] : memref<4x128xi32, #tpu.memory_space<vmem>> -> memref<1x128xi32, #tpu.memory_space<vmem>>
    %dma_wait3A_217 = tpu.memref_squeeze %dma_wait3A_216 : memref<1x128xi32, #tpu.memory_space<vmem>> -> memref<128xi32, #tpu.memory_space<vmem>>
    %dma_wait3A_218 = arith.constant 0 : i32
    %dma_wait3A_219 = arith.constant 0 : i32
    %dma_wait3A_220 = tpu.memref_slice %arg5[%dma_wait3A_218, %dma_wait3A_219] : memref<1000000x32xf32, #tpu.memory_space<hbm>> -> memref<1000000x32xf32, #tpu.memory_space<hbm>>
    tpu.wait_indirect_dma semaphore(%arg15 : memref<!tpu.dma_semaphore, #tpu.memory_space<semaphore_mem>>) src(%dma_wait3A_220 : memref<1000000x32xf32, #tpu.memory_space<hbm>>) dst(%dma_wait3A_214 : memref<128x32xf32, #tpu.memory_space<vmem>>)
    %dma_wait3A_221 = arith.constant 3 : i32
    %dma_wait3A_222 = arith.constant 384 : i32
    %dma_wait3A_223 = arith.constant 0 : i32
    %dma_wait3A_224 = tpu.memref_slice %arg12[%dma_wait3A_222, %dma_wait3A_223] : memref<512x32xf32, #tpu.memory_space<vmem>> -> memref<128x32xf32, #tpu.memory_space<vmem>>
    %dma_wait3A_225 = arith.constant 0 : i32
    %dma_wait3A_226 = tpu.memref_slice %arg9[%dma_wait3A_221, %dma_wait3A_225] : memref<4x128xi32, #tpu.memory_space<vmem>> -> memref<1x128xi32, #tpu.memory_space<vmem>>
    %dma_wait3A_227 = tpu.memref_squeeze %dma_wait3A_226 : memref<1x128xi32, #tpu.memory_space<vmem>> -> memref<128xi32, #tpu.memory_space<vmem>>
    %dma_wait3A_228 = arith.constant 0 : i32
    %dma_wait3A_229 = arith.constant 0 : i32
    %dma_wait3A_230 = tpu.memref_slice %arg6[%dma_wait3A_228, %dma_wait3A_229] : memref<1000000x32xf32, #tpu.memory_space<hbm>> -> memref<1000000x32xf32, #tpu.memory_space<hbm>>
    tpu.wait_indirect_dma semaphore(%arg15 : memref<!tpu.dma_semaphore, #tpu.memory_space<semaphore_mem>>) src(%dma_wait3A_230 : memref<1000000x32xf32, #tpu.memory_space<hbm>>) dst(%dma_wait3A_224 : memref<128x32xf32, #tpu.memory_space<vmem>>)
    %dma_wait3A_231 = arith.constant 3 : i32
    %dma_wait3A_232 = arith.constant 384 : i32
    %dma_wait3A_233 = arith.constant 0 : i32
    %dma_wait3A_234 = tpu.memref_slice %arg13[%dma_wait3A_232, %dma_wait3A_233] : memref<512x32xf32, #tpu.memory_space<vmem>> -> memref<128x32xf32, #tpu.memory_space<vmem>>
    %dma_wait3A_235 = arith.constant 0 : i32
    %dma_wait3A_236 = tpu.memref_slice %arg10[%dma_wait3A_231, %dma_wait3A_235] : memref<4x128xi32, #tpu.memory_space<vmem>> -> memref<1x128xi32, #tpu.memory_space<vmem>>
    %dma_wait3A_237 = tpu.memref_squeeze %dma_wait3A_236 : memref<1x128xi32, #tpu.memory_space<vmem>> -> memref<128xi32, #tpu.memory_space<vmem>>
    %dma_wait3A_238 = arith.constant 0 : i32
    %dma_wait3A_239 = arith.constant 0 : i32
    %dma_wait3A_240 = tpu.memref_slice %arg5[%dma_wait3A_238, %dma_wait3A_239] : memref<1000000x32xf32, #tpu.memory_space<hbm>> -> memref<1000000x32xf32, #tpu.memory_space<hbm>>
    tpu.wait_indirect_dma semaphore(%arg15 : memref<!tpu.dma_semaphore, #tpu.memory_space<semaphore_mem>>) src(%dma_wait3A_240 : memref<1000000x32xf32, #tpu.memory_space<hbm>>) dst(%dma_wait3A_234 : memref<128x32xf32, #tpu.memory_space<vmem>>)
    %iota3A = tpu.iota {dimensions = array<i32: 0>} : vector<16xi32>
    %scan3A = arith.constant 0 : i32
    %scan3A_241 = arith.constant 0 : i32
    %scan3A_242 = arith.constant 32 : i32
    %scan3A_243 = arith.addi %scan3A_241, %scan3A_242 : i32
    %scan3A_244 = arith.constant 1 : i32
    scf.for %scan3A_246 = %scan3A_241 to %scan3A_243 step %scan3A_244  : i32 {
      %mul3A_247 = arith.constant 16 : i32
      %mul3A_248 = arith.muli %scan3A_246, %mul3A_247 : i32
      %add3A_249 = vector.broadcast %mul3A_248 : i32 to vector<16xi32>
      %add3A_250 = arith.addi %add3A_249, %iota3A : vector<16xi32>
      %broadcast_in_dim3A = arith.constant 0.000000e+00 : f32
      %broadcast_in_dim3A_251 = vector.broadcast %broadcast_in_dim3A : f32 to vector<16xf32>
      %broadcast_in_dim3A_252 = arith.constant 0 : i32
      %broadcast_in_dim3A_253 = vector.broadcast %broadcast_in_dim3A_252 : i32 to vector<16xi32>
      %gather3A = tpu.vector_load_idx %arg11[%add3A_250, %broadcast_in_dim3A_253] : memref<512x32xf32, #tpu.memory_space<vmem>>[vector<16xi32>, vector<16xi32>], vector<16xf32>,
      %gather3A_254 = tpu.vector_load_idx %arg12[%add3A_250, %broadcast_in_dim3A_253] : memref<512x32xf32, #tpu.memory_space<vmem>>[vector<16xi32>, vector<16xi32>], vector<16xf32>,
      %gather3A_255 = tpu.vector_load_idx %arg13[%add3A_250, %broadcast_in_dim3A_253] : memref<512x32xf32, #tpu.memory_space<vmem>>[vector<16xi32>, vector<16xi32>], vector<16xf32>,
      %add3A_256 = arith.addf %gather3A, %gather3A_254 : vector<16xf32>
      %sub3A = arith.subf %add3A_256, %gather3A_255 : vector<16xf32>
      %abs3A = math.absf %sub3A : vector<16xf32>
      %add3A_257 = arith.addf %broadcast_in_dim3A_251, %abs3A : vector<16xf32>
      %broadcast_in_dim3A_258 = arith.constant 1 : i32
      %broadcast_in_dim3A_259 = vector.broadcast %broadcast_in_dim3A_258 : i32 to vector<16xi32>
      %gather3A_260 = tpu.vector_load_idx %arg11[%add3A_250, %broadcast_in_dim3A_259] : memref<512x32xf32, #tpu.memory_space<vmem>>[vector<16xi32>, vector<16xi32>], vector<16xf32>,
      %gather3A_261 = tpu.vector_load_idx %arg12[%add3A_250, %broadcast_in_dim3A_259] : memref<512x32xf32, #tpu.memory_space<vmem>>[vector<16xi32>, vector<16xi32>], vector<16xf32>,
      %gather3A_262 = tpu.vector_load_idx %arg13[%add3A_250, %broadcast_in_dim3A_259] : memref<512x32xf32, #tpu.memory_space<vmem>>[vector<16xi32>, vector<16xi32>], vector<16xf32>,
      %add3A_263 = arith.addf %gather3A_260, %gather3A_261 : vector<16xf32>
      %sub3A_264 = arith.subf %add3A_263, %gather3A_262 : vector<16xf32>
      %abs3A_265 = math.absf %sub3A_264 : vector<16xf32>
      %add3A_266 = arith.addf %add3A_257, %abs3A_265 : vector<16xf32>
      %broadcast_in_dim3A_267 = arith.constant 2 : i32
      %broadcast_in_dim3A_268 = vector.broadcast %broadcast_in_dim3A_267 : i32 to vector<16xi32>
      %gather3A_269 = tpu.vector_load_idx %arg11[%add3A_250, %broadcast_in_dim3A_268] : memref<512x32xf32, #tpu.memory_space<vmem>>[vector<16xi32>, vector<16xi32>], vector<16xf32>,
      %gather3A_270 = tpu.vector_load_idx %arg12[%add3A_250, %broadcast_in_dim3A_268] : memref<512x32xf32, #tpu.memory_space<vmem>>[vector<16xi32>, vector<16xi32>], vector<16xf32>,
      %gather3A_271 = tpu.vector_load_idx %arg13[%add3A_250, %broadcast_in_dim3A_268] : memref<512x32xf32, #tpu.memory_space<vmem>>[vector<16xi32>, vector<16xi32>], vector<16xf32>,
      %add3A_272 = arith.addf %gather3A_269, %gather3A_270 : vector<16xf32>
      %sub3A_273 = arith.subf %add3A_272, %gather3A_271 : vector<16xf32>
      %abs3A_274 = math.absf %sub3A_273 : vector<16xf32>
      %add3A_275 = arith.addf %add3A_266, %abs3A_274 : vector<16xf32>
      %broadcast_in_dim3A_276 = arith.constant 3 : i32
      %broadcast_in_dim3A_277 = vector.broadcast %broadcast_in_dim3A_276 : i32 to vector<16xi32>
      %gather3A_278 = tpu.vector_load_idx %arg11[%add3A_250, %broadcast_in_dim3A_277] : memref<512x32xf32, #tpu.memory_space<vmem>>[vector<16xi32>, vector<16xi32>], vector<16xf32>,
      %gather3A_279 = tpu.vector_load_idx %arg12[%add3A_250, %broadcast_in_dim3A_277] : memref<512x32xf32, #tpu.memory_space<vmem>>[vector<16xi32>, vector<16xi32>], vector<16xf32>,
      %gather3A_280 = tpu.vector_load_idx %arg13[%add3A_250, %broadcast_in_dim3A_277] : memref<512x32xf32, #tpu.memory_space<vmem>>[vector<16xi32>, vector<16xi32>], vector<16xf32>,
      %add3A_281 = arith.addf %gather3A_278, %gather3A_279 : vector<16xf32>
      %sub3A_282 = arith.subf %add3A_281, %gather3A_280 : vector<16xf32>
      %abs3A_283 = math.absf %sub3A_282 : vector<16xf32>
      %add3A_284 = arith.addf %add3A_275, %abs3A_283 : vector<16xf32>
      %broadcast_in_dim3A_285 = arith.constant 4 : i32
      %broadcast_in_dim3A_286 = vector.broadcast %broadcast_in_dim3A_285 : i32 to vector<16xi32>
      %gather3A_287 = tpu.vector_load_idx %arg11[%add3A_250, %broadcast_in_dim3A_286] : memref<512x32xf32, #tpu.memory_space<vmem>>[vector<16xi32>, vector<16xi32>], vector<16xf32>,
      %gather3A_288 = tpu.vector_load_idx %arg12[%add3A_250, %broadcast_in_dim3A_286] : memref<512x32xf32, #tpu.memory_space<vmem>>[vector<16xi32>, vector<16xi32>], vector<16xf32>,
      %gather3A_289 = tpu.vector_load_idx %arg13[%add3A_250, %broadcast_in_dim3A_286] : memref<512x32xf32, #tpu.memory_space<vmem>>[vector<16xi32>, vector<16xi32>], vector<16xf32>,
      %add3A_290 = arith.addf %gather3A_287, %gather3A_288 : vector<16xf32>
      %sub3A_291 = arith.subf %add3A_290, %gather3A_289 : vector<16xf32>
      %abs3A_292 = math.absf %sub3A_291 : vector<16xf32>
      %add3A_293 = arith.addf %add3A_284, %abs3A_292 : vector<16xf32>
      %broadcast_in_dim3A_294 = arith.constant 5 : i32
      %broadcast_in_dim3A_295 = vector.broadcast %broadcast_in_dim3A_294 : i32 to vector<16xi32>
      %gather3A_296 = tpu.vector_load_idx %arg11[%add3A_250, %broadcast_in_dim3A_295] : memref<512x32xf32, #tpu.memory_space<vmem>>[vector<16xi32>, vector<16xi32>], vector<16xf32>,
      %gather3A_297 = tpu.vector_load_idx %arg12[%add3A_250, %broadcast_in_dim3A_295] : memref<512x32xf32, #tpu.memory_space<vmem>>[vector<16xi32>, vector<16xi32>], vector<16xf32>,
      %gather3A_298 = tpu.vector_load_idx %arg13[%add3A_250, %broadcast_in_dim3A_295] : memref<512x32xf32, #tpu.memory_space<vmem>>[vector<16xi32>, vector<16xi32>], vector<16xf32>,
      %add3A_299 = arith.addf %gather3A_296, %gather3A_297 : vector<16xf32>
      %sub3A_300 = arith.subf %add3A_299, %gather3A_298 : vector<16xf32>
      %abs3A_301 = math.absf %sub3A_300 : vector<16xf32>
      %add3A_302 = arith.addf %add3A_293, %abs3A_301 : vector<16xf32>
      %broadcast_in_dim3A_303 = arith.constant 6 : i32
      %broadcast_in_dim3A_304 = vector.broadcast %broadcast_in_dim3A_303 : i32 to vector<16xi32>
      %gather3A_305 = tpu.vector_load_idx %arg11[%add3A_250, %broadcast_in_dim3A_304] : memref<512x32xf32, #tpu.memory_space<vmem>>[vector<16xi32>, vector<16xi32>], vector<16xf32>,
      %gather3A_306 = tpu.vector_load_idx %arg12[%add3A_250, %broadcast_in_dim3A_304] : memref<512x32xf32, #tpu.memory_space<vmem>>[vector<16xi32>, vector<16xi32>], vector<16xf32>,
      %gather3A_307 = tpu.vector_load_idx %arg13[%add3A_250, %broadcast_in_dim3A_304] : memref<512x32xf32, #tpu.memory_space<vmem>>[vector<16xi32>, vector<16xi32>], vector<16xf32>,
      %add3A_308 = arith.addf %gather3A_305, %gather3A_306 : vector<16xf32>
      %sub3A_309 = arith.subf %add3A_308, %gather3A_307 : vector<16xf32>
      %abs3A_310 = math.absf %sub3A_309 : vector<16xf32>
      %add3A_311 = arith.addf %add3A_302, %abs3A_310 : vector<16xf32>
      %broadcast_in_dim3A_312 = arith.constant 7 : i32
      %broadcast_in_dim3A_313 = vector.broadcast %broadcast_in_dim3A_312 : i32 to vector<16xi32>
      %gather3A_314 = tpu.vector_load_idx %arg11[%add3A_250, %broadcast_in_dim3A_313] : memref<512x32xf32, #tpu.memory_space<vmem>>[vector<16xi32>, vector<16xi32>], vector<16xf32>,
      %gather3A_315 = tpu.vector_load_idx %arg12[%add3A_250, %broadcast_in_dim3A_313] : memref<512x32xf32, #tpu.memory_space<vmem>>[vector<16xi32>, vector<16xi32>], vector<16xf32>,
      %gather3A_316 = tpu.vector_load_idx %arg13[%add3A_250, %broadcast_in_dim3A_313] : memref<512x32xf32, #tpu.memory_space<vmem>>[vector<16xi32>, vector<16xi32>], vector<16xf32>,
      %add3A_317 = arith.addf %gather3A_314, %gather3A_315 : vector<16xf32>
      %sub3A_318 = arith.subf %add3A_317, %gather3A_316 : vector<16xf32>
      %abs3A_319 = math.absf %sub3A_318 : vector<16xf32>
      %add3A_320 = arith.addf %add3A_311, %abs3A_319 : vector<16xf32>
      %broadcast_in_dim3A_321 = arith.constant 8 : i32
      %broadcast_in_dim3A_322 = vector.broadcast %broadcast_in_dim3A_321 : i32 to vector<16xi32>
      %gather3A_323 = tpu.vector_load_idx %arg11[%add3A_250, %broadcast_in_dim3A_322] : memref<512x32xf32, #tpu.memory_space<vmem>>[vector<16xi32>, vector<16xi32>], vector<16xf32>,
      %gather3A_324 = tpu.vector_load_idx %arg12[%add3A_250, %broadcast_in_dim3A_322] : memref<512x32xf32, #tpu.memory_space<vmem>>[vector<16xi32>, vector<16xi32>], vector<16xf32>,
      %gather3A_325 = tpu.vector_load_idx %arg13[%add3A_250, %broadcast_in_dim3A_322] : memref<512x32xf32, #tpu.memory_space<vmem>>[vector<16xi32>, vector<16xi32>], vector<16xf32>,
      %add3A_326 = arith.addf %gather3A_323, %gather3A_324 : vector<16xf32>
      %sub3A_327 = arith.subf %add3A_326, %gather3A_325 : vector<16xf32>
      %abs3A_328 = math.absf %sub3A_327 : vector<16xf32>
      %add3A_329 = arith.addf %add3A_320, %abs3A_328 : vector<16xf32>
      %broadcast_in_dim3A_330 = arith.constant 9 : i32
      %broadcast_in_dim3A_331 = vector.broadcast %broadcast_in_dim3A_330 : i32 to vector<16xi32>
      %gather3A_332 = tpu.vector_load_idx %arg11[%add3A_250, %broadcast_in_dim3A_331] : memref<512x32xf32, #tpu.memory_space<vmem>>[vector<16xi32>, vector<16xi32>], vector<16xf32>,
      %gather3A_333 = tpu.vector_load_idx %arg12[%add3A_250, %broadcast_in_dim3A_331] : memref<512x32xf32, #tpu.memory_space<vmem>>[vector<16xi32>, vector<16xi32>], vector<16xf32>,
      %gather3A_334 = tpu.vector_load_idx %arg13[%add3A_250, %broadcast_in_dim3A_331] : memref<512x32xf32, #tpu.memory_space<vmem>>[vector<16xi32>, vector<16xi32>], vector<16xf32>,
      %add3A_335 = arith.addf %gather3A_332, %gather3A_333 : vector<16xf32>
      %sub3A_336 = arith.subf %add3A_335, %gather3A_334 : vector<16xf32>
      %abs3A_337 = math.absf %sub3A_336 : vector<16xf32>
      %add3A_338 = arith.addf %add3A_329, %abs3A_337 : vector<16xf32>
      %broadcast_in_dim3A_339 = arith.constant 10 : i32
      %broadcast_in_dim3A_340 = vector.broadcast %broadcast_in_dim3A_339 : i32 to vector<16xi32>
      %gather3A_341 = tpu.vector_load_idx %arg11[%add3A_250, %broadcast_in_dim3A_340] : memref<512x32xf32, #tpu.memory_space<vmem>>[vector<16xi32>, vector<16xi32>], vector<16xf32>,
      %gather3A_342 = tpu.vector_load_idx %arg12[%add3A_250, %broadcast_in_dim3A_340] : memref<512x32xf32, #tpu.memory_space<vmem>>[vector<16xi32>, vector<16xi32>], vector<16xf32>,
      %gather3A_343 = tpu.vector_load_idx %arg13[%add3A_250, %broadcast_in_dim3A_340] : memref<512x32xf32, #tpu.memory_space<vmem>>[vector<16xi32>, vector<16xi32>], vector<16xf32>,
      %add3A_344 = arith.addf %gather3A_341, %gather3A_342 : vector<16xf32>
      %sub3A_345 = arith.subf %add3A_344, %gather3A_343 : vector<16xf32>
      %abs3A_346 = math.absf %sub3A_345 : vector<16xf32>
      %add3A_347 = arith.addf %add3A_338, %abs3A_346 : vector<16xf32>
      %broadcast_in_dim3A_348 = arith.constant 11 : i32
      %broadcast_in_dim3A_349 = vector.broadcast %broadcast_in_dim3A_348 : i32 to vector<16xi32>
      %gather3A_350 = tpu.vector_load_idx %arg11[%add3A_250, %broadcast_in_dim3A_349] : memref<512x32xf32, #tpu.memory_space<vmem>>[vector<16xi32>, vector<16xi32>], vector<16xf32>,
      %gather3A_351 = tpu.vector_load_idx %arg12[%add3A_250, %broadcast_in_dim3A_349] : memref<512x32xf32, #tpu.memory_space<vmem>>[vector<16xi32>, vector<16xi32>], vector<16xf32>,
      %gather3A_352 = tpu.vector_load_idx %arg13[%add3A_250, %broadcast_in_dim3A_349] : memref<512x32xf32, #tpu.memory_space<vmem>>[vector<16xi32>, vector<16xi32>], vector<16xf32>,
      %add3A_353 = arith.addf %gather3A_350, %gather3A_351 : vector<16xf32>
      %sub3A_354 = arith.subf %add3A_353, %gather3A_352 : vector<16xf32>
      %abs3A_355 = math.absf %sub3A_354 : vector<16xf32>
      %add3A_356 = arith.addf %add3A_347, %abs3A_355 : vector<16xf32>
      %broadcast_in_dim3A_357 = arith.constant 12 : i32
      %broadcast_in_dim3A_358 = vector.broadcast %broadcast_in_dim3A_357 : i32 to vector<16xi32>
      %gather3A_359 = tpu.vector_load_idx %arg11[%add3A_250, %broadcast_in_dim3A_358] : memref<512x32xf32, #tpu.memory_space<vmem>>[vector<16xi32>, vector<16xi32>], vector<16xf32>,
      %gather3A_360 = tpu.vector_load_idx %arg12[%add3A_250, %broadcast_in_dim3A_358] : memref<512x32xf32, #tpu.memory_space<vmem>>[vector<16xi32>, vector<16xi32>], vector<16xf32>,
      %gather3A_361 = tpu.vector_load_idx %arg13[%add3A_250, %broadcast_in_dim3A_358] : memref<512x32xf32, #tpu.memory_space<vmem>>[vector<16xi32>, vector<16xi32>], vector<16xf32>,
      %add3A_362 = arith.addf %gather3A_359, %gather3A_360 : vector<16xf32>
      %sub3A_363 = arith.subf %add3A_362, %gather3A_361 : vector<16xf32>
      %abs3A_364 = math.absf %sub3A_363 : vector<16xf32>
      %add3A_365 = arith.addf %add3A_356, %abs3A_364 : vector<16xf32>
      %broadcast_in_dim3A_366 = arith.constant 13 : i32
      %broadcast_in_dim3A_367 = vector.broadcast %broadcast_in_dim3A_366 : i32 to vector<16xi32>
      %gather3A_368 = tpu.vector_load_idx %arg11[%add3A_250, %broadcast_in_dim3A_367] : memref<512x32xf32, #tpu.memory_space<vmem>>[vector<16xi32>, vector<16xi32>], vector<16xf32>,
      %gather3A_369 = tpu.vector_load_idx %arg12[%add3A_250, %broadcast_in_dim3A_367] : memref<512x32xf32, #tpu.memory_space<vmem>>[vector<16xi32>, vector<16xi32>], vector<16xf32>,
      %gather3A_370 = tpu.vector_load_idx %arg13[%add3A_250, %broadcast_in_dim3A_367] : memref<512x32xf32, #tpu.memory_space<vmem>>[vector<16xi32>, vector<16xi32>], vector<16xf32>,
      %add3A_371 = arith.addf %gather3A_368, %gather3A_369 : vector<16xf32>
      %sub3A_372 = arith.subf %add3A_371, %gather3A_370 : vector<16xf32>
      %abs3A_373 = math.absf %sub3A_372 : vector<16xf32>
      %add3A_374 = arith.addf %add3A_365, %abs3A_373 : vector<16xf32>
      %broadcast_in_dim3A_375 = arith.constant 14 : i32
      %broadcast_in_dim3A_376 = vector.broadcast %broadcast_in_dim3A_375 : i32 to vector<16xi32>
      %gather3A_377 = tpu.vector_load_idx %arg11[%add3A_250, %broadcast_in_dim3A_376] : memref<512x32xf32, #tpu.memory_space<vmem>>[vector<16xi32>, vector<16xi32>], vector<16xf32>,
      %gather3A_378 = tpu.vector_load_idx %arg12[%add3A_250, %broadcast_in_dim3A_376] : memref<512x32xf32, #tpu.memory_space<vmem>>[vector<16xi32>, vector<16xi32>], vector<16xf32>,
      %gather3A_379 = tpu.vector_load_idx %arg13[%add3A_250, %broadcast_in_dim3A_376] : memref<512x32xf32, #tpu.memory_space<vmem>>[vector<16xi32>, vector<16xi32>], vector<16xf32>,
      %add3A_380 = arith.addf %gather3A_377, %gather3A_378 : vector<16xf32>
      %sub3A_381 = arith.subf %add3A_380, %gather3A_379 : vector<16xf32>
      %abs3A_382 = math.absf %sub3A_381 : vector<16xf32>
      %add3A_383 = arith.addf %add3A_374, %abs3A_382 : vector<16xf32>
      %broadcast_in_dim3A_384 = arith.constant 15 : i32
      %broadcast_in_dim3A_385 = vector.broadcast %broadcast_in_dim3A_384 : i32 to vector<16xi32>
      %gather3A_386 = tpu.vector_load_idx %arg11[%add3A_250, %broadcast_in_dim3A_385] : memref<512x32xf32, #tpu.memory_space<vmem>>[vector<16xi32>, vector<16xi32>], vector<16xf32>,
      %gather3A_387 = tpu.vector_load_idx %arg12[%add3A_250, %broadcast_in_dim3A_385] : memref<512x32xf32, #tpu.memory_space<vmem>>[vector<16xi32>, vector<16xi32>], vector<16xf32>,
      %gather3A_388 = tpu.vector_load_idx %arg13[%add3A_250, %broadcast_in_dim3A_385] : memref<512x32xf32, #tpu.memory_space<vmem>>[vector<16xi32>, vector<16xi32>], vector<16xf32>,
      %add3A_389 = arith.addf %gather3A_386, %gather3A_387 : vector<16xf32>
      %sub3A_390 = arith.subf %add3A_389, %gather3A_388 : vector<16xf32>
      %abs3A_391 = math.absf %sub3A_390 : vector<16xf32>
      %add3A_392 = arith.addf %add3A_383, %abs3A_391 : vector<16xf32>
      %broadcast_in_dim3A_393 = arith.constant 16 : i32
      %broadcast_in_dim3A_394 = vector.broadcast %broadcast_in_dim3A_393 : i32 to vector<16xi32>
      %gather3A_395 = tpu.vector_load_idx %arg11[%add3A_250, %broadcast_in_dim3A_394] : memref<512x32xf32, #tpu.memory_space<vmem>>[vector<16xi32>, vector<16xi32>], vector<16xf32>,
      %gather3A_396 = tpu.vector_load_idx %arg12[%add3A_250, %broadcast_in_dim3A_394] : memref<512x32xf32, #tpu.memory_space<vmem>>[vector<16xi32>, vector<16xi32>], vector<16xf32>,
      %gather3A_397 = tpu.vector_load_idx %arg13[%add3A_250, %broadcast_in_dim3A_394] : memref<512x32xf32, #tpu.memory_space<vmem>>[vector<16xi32>, vector<16xi32>], vector<16xf32>,
      %add3A_398 = arith.addf %gather3A_395, %gather3A_396 : vector<16xf32>
      %sub3A_399 = arith.subf %add3A_398, %gather3A_397 : vector<16xf32>
      %abs3A_400 = math.absf %sub3A_399 : vector<16xf32>
      %add3A_401 = arith.addf %add3A_392, %abs3A_400 : vector<16xf32>
      %broadcast_in_dim3A_402 = arith.constant 17 : i32
      %broadcast_in_dim3A_403 = vector.broadcast %broadcast_in_dim3A_402 : i32 to vector<16xi32>
      %gather3A_404 = tpu.vector_load_idx %arg11[%add3A_250, %broadcast_in_dim3A_403] : memref<512x32xf32, #tpu.memory_space<vmem>>[vector<16xi32>, vector<16xi32>], vector<16xf32>,
      %gather3A_405 = tpu.vector_load_idx %arg12[%add3A_250, %broadcast_in_dim3A_403] : memref<512x32xf32, #tpu.memory_space<vmem>>[vector<16xi32>, vector<16xi32>], vector<16xf32>,
      %gather3A_406 = tpu.vector_load_idx %arg13[%add3A_250, %broadcast_in_dim3A_403] : memref<512x32xf32, #tpu.memory_space<vmem>>[vector<16xi32>, vector<16xi32>], vector<16xf32>,
      %add3A_407 = arith.addf %gather3A_404, %gather3A_405 : vector<16xf32>
      %sub3A_408 = arith.subf %add3A_407, %gather3A_406 : vector<16xf32>
      %abs3A_409 = math.absf %sub3A_408 : vector<16xf32>
      %add3A_410 = arith.addf %add3A_401, %abs3A_409 : vector<16xf32>
      %broadcast_in_dim3A_411 = arith.constant 18 : i32
      %broadcast_in_dim3A_412 = vector.broadcast %broadcast_in_dim3A_411 : i32 to vector<16xi32>
      %gather3A_413 = tpu.vector_load_idx %arg11[%add3A_250, %broadcast_in_dim3A_412] : memref<512x32xf32, #tpu.memory_space<vmem>>[vector<16xi32>, vector<16xi32>], vector<16xf32>,
      %gather3A_414 = tpu.vector_load_idx %arg12[%add3A_250, %broadcast_in_dim3A_412] : memref<512x32xf32, #tpu.memory_space<vmem>>[vector<16xi32>, vector<16xi32>], vector<16xf32>,
      %gather3A_415 = tpu.vector_load_idx %arg13[%add3A_250, %broadcast_in_dim3A_412] : memref<512x32xf32, #tpu.memory_space<vmem>>[vector<16xi32>, vector<16xi32>], vector<16xf32>,
      %add3A_416 = arith.addf %gather3A_413, %gather3A_414 : vector<16xf32>
      %sub3A_417 = arith.subf %add3A_416, %gather3A_415 : vector<16xf32>
      %abs3A_418 = math.absf %sub3A_417 : vector<16xf32>
      %add3A_419 = arith.addf %add3A_410, %abs3A_418 : vector<16xf32>
      %broadcast_in_dim3A_420 = arith.constant 19 : i32
      %broadcast_in_dim3A_421 = vector.broadcast %broadcast_in_dim3A_420 : i32 to vector<16xi32>
      %gather3A_422 = tpu.vector_load_idx %arg11[%add3A_250, %broadcast_in_dim3A_421] : memref<512x32xf32, #tpu.memory_space<vmem>>[vector<16xi32>, vector<16xi32>], vector<16xf32>,
      %gather3A_423 = tpu.vector_load_idx %arg12[%add3A_250, %broadcast_in_dim3A_421] : memref<512x32xf32, #tpu.memory_space<vmem>>[vector<16xi32>, vector<16xi32>], vector<16xf32>,
      %gather3A_424 = tpu.vector_load_idx %arg13[%add3A_250, %broadcast_in_dim3A_421] : memref<512x32xf32, #tpu.memory_space<vmem>>[vector<16xi32>, vector<16xi32>], vector<16xf32>,
      %add3A_425 = arith.addf %gather3A_422, %gather3A_423 : vector<16xf32>
      %sub3A_426 = arith.subf %add3A_425, %gather3A_424 : vector<16xf32>
      %abs3A_427 = math.absf %sub3A_426 : vector<16xf32>
      %add3A_428 = arith.addf %add3A_419, %abs3A_427 : vector<16xf32>
      %broadcast_in_dim3A_429 = arith.constant 20 : i32
      %broadcast_in_dim3A_430 = vector.broadcast %broadcast_in_dim3A_429 : i32 to vector<16xi32>
      %gather3A_431 = tpu.vector_load_idx %arg11[%add3A_250, %broadcast_in_dim3A_430] : memref<512x32xf32, #tpu.memory_space<vmem>>[vector<16xi32>, vector<16xi32>], vector<16xf32>,
      %gather3A_432 = tpu.vector_load_idx %arg12[%add3A_250, %broadcast_in_dim3A_430] : memref<512x32xf32, #tpu.memory_space<vmem>>[vector<16xi32>, vector<16xi32>], vector<16xf32>,
      %gather3A_433 = tpu.vector_load_idx %arg13[%add3A_250, %broadcast_in_dim3A_430] : memref<512x32xf32, #tpu.memory_space<vmem>>[vector<16xi32>, vector<16xi32>], vector<16xf32>,
      %add3A_434 = arith.addf %gather3A_431, %gather3A_432 : vector<16xf32>
      %sub3A_435 = arith.subf %add3A_434, %gather3A_433 : vector<16xf32>
      %abs3A_436 = math.absf %sub3A_435 : vector<16xf32>
      %add3A_437 = arith.addf %add3A_428, %abs3A_436 : vector<16xf32>
      %broadcast_in_dim3A_438 = arith.constant 21 : i32
      %broadcast_in_dim3A_439 = vector.broadcast %broadcast_in_dim3A_438 : i32 to vector<16xi32>
      %gather3A_440 = tpu.vector_load_idx %arg11[%add3A_250, %broadcast_in_dim3A_439] : memref<512x32xf32, #tpu.memory_space<vmem>>[vector<16xi32>, vector<16xi32>], vector<16xf32>,
      %gather3A_441 = tpu.vector_load_idx %arg12[%add3A_250, %broadcast_in_dim3A_439] : memref<512x32xf32, #tpu.memory_space<vmem>>[vector<16xi32>, vector<16xi32>], vector<16xf32>,
      %gather3A_442 = tpu.vector_load_idx %arg13[%add3A_250, %broadcast_in_dim3A_439] : memref<512x32xf32, #tpu.memory_space<vmem>>[vector<16xi32>, vector<16xi32>], vector<16xf32>,
      %add3A_443 = arith.addf %gather3A_440, %gather3A_441 : vector<16xf32>
      %sub3A_444 = arith.subf %add3A_443, %gather3A_442 : vector<16xf32>
      %abs3A_445 = math.absf %sub3A_444 : vector<16xf32>
      %add3A_446 = arith.addf %add3A_437, %abs3A_445 : vector<16xf32>
      %broadcast_in_dim3A_447 = arith.constant 22 : i32
      %broadcast_in_dim3A_448 = vector.broadcast %broadcast_in_dim3A_447 : i32 to vector<16xi32>
      %gather3A_449 = tpu.vector_load_idx %arg11[%add3A_250, %broadcast_in_dim3A_448] : memref<512x32xf32, #tpu.memory_space<vmem>>[vector<16xi32>, vector<16xi32>], vector<16xf32>,
      %gather3A_450 = tpu.vector_load_idx %arg12[%add3A_250, %broadcast_in_dim3A_448] : memref<512x32xf32, #tpu.memory_space<vmem>>[vector<16xi32>, vector<16xi32>], vector<16xf32>,
      %gather3A_451 = tpu.vector_load_idx %arg13[%add3A_250, %broadcast_in_dim3A_448] : memref<512x32xf32, #tpu.memory_space<vmem>>[vector<16xi32>, vector<16xi32>], vector<16xf32>,
      %add3A_452 = arith.addf %gather3A_449, %gather3A_450 : vector<16xf32>
      %sub3A_453 = arith.subf %add3A_452, %gather3A_451 : vector<16xf32>
      %abs3A_454 = math.absf %sub3A_453 : vector<16xf32>
      %add3A_455 = arith.addf %add3A_446, %abs3A_454 : vector<16xf32>
      %broadcast_in_dim3A_456 = arith.constant 23 : i32
      %broadcast_in_dim3A_457 = vector.broadcast %broadcast_in_dim3A_456 : i32 to vector<16xi32>
      %gather3A_458 = tpu.vector_load_idx %arg11[%add3A_250, %broadcast_in_dim3A_457] : memref<512x32xf32, #tpu.memory_space<vmem>>[vector<16xi32>, vector<16xi32>], vector<16xf32>,
      %gather3A_459 = tpu.vector_load_idx %arg12[%add3A_250, %broadcast_in_dim3A_457] : memref<512x32xf32, #tpu.memory_space<vmem>>[vector<16xi32>, vector<16xi32>], vector<16xf32>,
      %gather3A_460 = tpu.vector_load_idx %arg13[%add3A_250, %broadcast_in_dim3A_457] : memref<512x32xf32, #tpu.memory_space<vmem>>[vector<16xi32>, vector<16xi32>], vector<16xf32>,
      %add3A_461 = arith.addf %gather3A_458, %gather3A_459 : vector<16xf32>
      %sub3A_462 = arith.subf %add3A_461, %gather3A_460 : vector<16xf32>
      %abs3A_463 = math.absf %sub3A_462 : vector<16xf32>
      %add3A_464 = arith.addf %add3A_455, %abs3A_463 : vector<16xf32>
      %broadcast_in_dim3A_465 = arith.constant 24 : i32
      %broadcast_in_dim3A_466 = vector.broadcast %broadcast_in_dim3A_465 : i32 to vector<16xi32>
      %gather3A_467 = tpu.vector_load_idx %arg11[%add3A_250, %broadcast_in_dim3A_466] : memref<512x32xf32, #tpu.memory_space<vmem>>[vector<16xi32>, vector<16xi32>], vector<16xf32>,
      %gather3A_468 = tpu.vector_load_idx %arg12[%add3A_250, %broadcast_in_dim3A_466] : memref<512x32xf32, #tpu.memory_space<vmem>>[vector<16xi32>, vector<16xi32>], vector<16xf32>,
      %gather3A_469 = tpu.vector_load_idx %arg13[%add3A_250, %broadcast_in_dim3A_466] : memref<512x32xf32, #tpu.memory_space<vmem>>[vector<16xi32>, vector<16xi32>], vector<16xf32>,
      %add3A_470 = arith.addf %gather3A_467, %gather3A_468 : vector<16xf32>
      %sub3A_471 = arith.subf %add3A_470, %gather3A_469 : vector<16xf32>
      %abs3A_472 = math.absf %sub3A_471 : vector<16xf32>
      %add3A_473 = arith.addf %add3A_464, %abs3A_472 : vector<16xf32>
      %broadcast_in_dim3A_474 = arith.constant 25 : i32
      %broadcast_in_dim3A_475 = vector.broadcast %broadcast_in_dim3A_474 : i32 to vector<16xi32>
      %gather3A_476 = tpu.vector_load_idx %arg11[%add3A_250, %broadcast_in_dim3A_475] : memref<512x32xf32, #tpu.memory_space<vmem>>[vector<16xi32>, vector<16xi32>], vector<16xf32>,
      %gather3A_477 = tpu.vector_load_idx %arg12[%add3A_250, %broadcast_in_dim3A_475] : memref<512x32xf32, #tpu.memory_space<vmem>>[vector<16xi32>, vector<16xi32>], vector<16xf32>,
      %gather3A_478 = tpu.vector_load_idx %arg13[%add3A_250, %broadcast_in_dim3A_475] : memref<512x32xf32, #tpu.memory_space<vmem>>[vector<16xi32>, vector<16xi32>], vector<16xf32>,
      %add3A_479 = arith.addf %gather3A_476, %gather3A_477 : vector<16xf32>
      %sub3A_480 = arith.subf %add3A_479, %gather3A_478 : vector<16xf32>
      %abs3A_481 = math.absf %sub3A_480 : vector<16xf32>
      %add3A_482 = arith.addf %add3A_473, %abs3A_481 : vector<16xf32>
      %broadcast_in_dim3A_483 = arith.constant 26 : i32
      %broadcast_in_dim3A_484 = vector.broadcast %broadcast_in_dim3A_483 : i32 to vector<16xi32>
      %gather3A_485 = tpu.vector_load_idx %arg11[%add3A_250, %broadcast_in_dim3A_484] : memref<512x32xf32, #tpu.memory_space<vmem>>[vector<16xi32>, vector<16xi32>], vector<16xf32>,
      %gather3A_486 = tpu.vector_load_idx %arg12[%add3A_250, %broadcast_in_dim3A_484] : memref<512x32xf32, #tpu.memory_space<vmem>>[vector<16xi32>, vector<16xi32>], vector<16xf32>,
      %gather3A_487 = tpu.vector_load_idx %arg13[%add3A_250, %broadcast_in_dim3A_484] : memref<512x32xf32, #tpu.memory_space<vmem>>[vector<16xi32>, vector<16xi32>], vector<16xf32>,
      %add3A_488 = arith.addf %gather3A_485, %gather3A_486 : vector<16xf32>
      %sub3A_489 = arith.subf %add3A_488, %gather3A_487 : vector<16xf32>
      %abs3A_490 = math.absf %sub3A_489 : vector<16xf32>
      %add3A_491 = arith.addf %add3A_482, %abs3A_490 : vector<16xf32>
      %broadcast_in_dim3A_492 = arith.constant 27 : i32
      %broadcast_in_dim3A_493 = vector.broadcast %broadcast_in_dim3A_492 : i32 to vector<16xi32>
      %gather3A_494 = tpu.vector_load_idx %arg11[%add3A_250, %broadcast_in_dim3A_493] : memref<512x32xf32, #tpu.memory_space<vmem>>[vector<16xi32>, vector<16xi32>], vector<16xf32>,
      %gather3A_495 = tpu.vector_load_idx %arg12[%add3A_250, %broadcast_in_dim3A_493] : memref<512x32xf32, #tpu.memory_space<vmem>>[vector<16xi32>, vector<16xi32>], vector<16xf32>,
      %gather3A_496 = tpu.vector_load_idx %arg13[%add3A_250, %broadcast_in_dim3A_493] : memref<512x32xf32, #tpu.memory_space<vmem>>[vector<16xi32>, vector<16xi32>], vector<16xf32>,
      %add3A_497 = arith.addf %gather3A_494, %gather3A_495 : vector<16xf32>
      %sub3A_498 = arith.subf %add3A_497, %gather3A_496 : vector<16xf32>
      %abs3A_499 = math.absf %sub3A_498 : vector<16xf32>
      %add3A_500 = arith.addf %add3A_491, %abs3A_499 : vector<16xf32>
      %broadcast_in_dim3A_501 = arith.constant 28 : i32
      %broadcast_in_dim3A_502 = vector.broadcast %broadcast_in_dim3A_501 : i32 to vector<16xi32>
      %gather3A_503 = tpu.vector_load_idx %arg11[%add3A_250, %broadcast_in_dim3A_502] : memref<512x32xf32, #tpu.memory_space<vmem>>[vector<16xi32>, vector<16xi32>], vector<16xf32>,
      %gather3A_504 = tpu.vector_load_idx %arg12[%add3A_250, %broadcast_in_dim3A_502] : memref<512x32xf32, #tpu.memory_space<vmem>>[vector<16xi32>, vector<16xi32>], vector<16xf32>,
      %gather3A_505 = tpu.vector_load_idx %arg13[%add3A_250, %broadcast_in_dim3A_502] : memref<512x32xf32, #tpu.memory_space<vmem>>[vector<16xi32>, vector<16xi32>], vector<16xf32>,
      %add3A_506 = arith.addf %gather3A_503, %gather3A_504 : vector<16xf32>
      %sub3A_507 = arith.subf %add3A_506, %gather3A_505 : vector<16xf32>
      %abs3A_508 = math.absf %sub3A_507 : vector<16xf32>
      %add3A_509 = arith.addf %add3A_500, %abs3A_508 : vector<16xf32>
      %broadcast_in_dim3A_510 = arith.constant 29 : i32
      %broadcast_in_dim3A_511 = vector.broadcast %broadcast_in_dim3A_510 : i32 to vector<16xi32>
      %gather3A_512 = tpu.vector_load_idx %arg11[%add3A_250, %broadcast_in_dim3A_511] : memref<512x32xf32, #tpu.memory_space<vmem>>[vector<16xi32>, vector<16xi32>], vector<16xf32>,
      %gather3A_513 = tpu.vector_load_idx %arg12[%add3A_250, %broadcast_in_dim3A_511] : memref<512x32xf32, #tpu.memory_space<vmem>>[vector<16xi32>, vector<16xi32>], vector<16xf32>,
      %gather3A_514 = tpu.vector_load_idx %arg13[%add3A_250, %broadcast_in_dim3A_511] : memref<512x32xf32, #tpu.memory_space<vmem>>[vector<16xi32>, vector<16xi32>], vector<16xf32>,
      %add3A_515 = arith.addf %gather3A_512, %gather3A_513 : vector<16xf32>
      %sub3A_516 = arith.subf %add3A_515, %gather3A_514 : vector<16xf32>
      %abs3A_517 = math.absf %sub3A_516 : vector<16xf32>
      %add3A_518 = arith.addf %add3A_509, %abs3A_517 : vector<16xf32>
      %broadcast_in_dim3A_519 = arith.constant 30 : i32
      %broadcast_in_dim3A_520 = vector.broadcast %broadcast_in_dim3A_519 : i32 to vector<16xi32>
      %gather3A_521 = tpu.vector_load_idx %arg11[%add3A_250, %broadcast_in_dim3A_520] : memref<512x32xf32, #tpu.memory_space<vmem>>[vector<16xi32>, vector<16xi32>], vector<16xf32>,
      %gather3A_522 = tpu.vector_load_idx %arg12[%add3A_250, %broadcast_in_dim3A_520] : memref<512x32xf32, #tpu.memory_space<vmem>>[vector<16xi32>, vector<16xi32>], vector<16xf32>,
      %gather3A_523 = tpu.vector_load_idx %arg13[%add3A_250, %broadcast_in_dim3A_520] : memref<512x32xf32, #tpu.memory_space<vmem>>[vector<16xi32>, vector<16xi32>], vector<16xf32>,
      %add3A_524 = arith.addf %gather3A_521, %gather3A_522 : vector<16xf32>
      %sub3A_525 = arith.subf %add3A_524, %gather3A_523 : vector<16xf32>
      %abs3A_526 = math.absf %sub3A_525 : vector<16xf32>
      %add3A_527 = arith.addf %add3A_518, %abs3A_526 : vector<16xf32>
      %broadcast_in_dim3A_528 = arith.constant 31 : i32
      %broadcast_in_dim3A_529 = vector.broadcast %broadcast_in_dim3A_528 : i32 to vector<16xi32>
      %gather3A_530 = tpu.vector_load_idx %arg11[%add3A_250, %broadcast_in_dim3A_529] : memref<512x32xf32, #tpu.memory_space<vmem>>[vector<16xi32>, vector<16xi32>], vector<16xf32>,
      %gather3A_531 = tpu.vector_load_idx %arg12[%add3A_250, %broadcast_in_dim3A_529] : memref<512x32xf32, #tpu.memory_space<vmem>>[vector<16xi32>, vector<16xi32>], vector<16xf32>,
      %gather3A_532 = tpu.vector_load_idx %arg13[%add3A_250, %broadcast_in_dim3A_529] : memref<512x32xf32, #tpu.memory_space<vmem>>[vector<16xi32>, vector<16xi32>], vector<16xf32>,
      %add3A_533 = arith.addf %gather3A_530, %gather3A_531 : vector<16xf32>
      %sub3A_534 = arith.subf %add3A_533, %gather3A_532 : vector<16xf32>
      %abs3A_535 = math.absf %sub3A_534 : vector<16xf32>
      %add3A_536 = arith.addf %add3A_527, %abs3A_535 : vector<16xf32>
      %sub3A_537 = arith.constant 1.200000e+01 : f32
      %sub3A_538 = vector.broadcast %sub3A_537 : f32 to vector<16xf32>
      %sub3A_539 = arith.subf %sub3A_538, %add3A_536 : vector<16xf32>
      %mul3A_540 = arith.constant 16 : i32
      %mul3A_541 = arith.muli %scan3A_246, %mul3A_540 : i32
      %swap3A = arith.index_cast %mul3A_541 : i32 to index
      %swap3A_542 = tpu.vector_load %arg14[%swap3A] {strides = array<i32>} : memref<512xf32, #tpu.memory_space<vmem>>, vector<16xf32>,
      tpu.vector_store %arg14[%swap3A], %sub3A_539 {strides = array<i32>} : memref<512xf32, #tpu.memory_space<vmem>>, vector<16xf32>,
    }
    %scan3A_245 = arith.constant 32 : i32
    "tpu.region"() ({
      %run_scoped3A = tpu.sem_alloc : memref<!tpu.dma_semaphore, #tpu.memory_space<semaphore_mem>>
      %dma_start3A_246 = tpu.memref_slice %arg7[%mul3A_2] : memref<16384xf32, #tpu.memory_space<hbm>> -> memref<512xf32, #tpu.memory_space<hbm>>
      %dma_start3A_247 = tpu.memref_slice %arg7[%mul3A_2] : memref<16384xf32, #tpu.memory_space<hbm>> -> memref<512xf32, #tpu.memory_space<hbm>>
      tpu.enqueue_dma source(%arg14 : memref<512xf32, #tpu.memory_space<vmem>>) target(%dma_start3A_247 : memref<512xf32, #tpu.memory_space<hbm>>) target_semaphore(%run_scoped3A : memref<!tpu.dma_semaphore, #tpu.memory_space<semaphore_mem>>)
      %dma_wait3A_248 = tpu.memref_slice %arg7[%mul3A_2] : memref<16384xf32, #tpu.memory_space<hbm>> -> memref<512xf32, #tpu.memory_space<hbm>>
      %dma_wait3A_249 = tpu.memref_slice %arg7[%mul3A_2] : memref<16384xf32, #tpu.memory_space<hbm>> -> memref<512xf32, #tpu.memory_space<hbm>>
      tpu.wait_dma2 semaphore(%run_scoped3A : memref<!tpu.dma_semaphore, #tpu.memory_space<semaphore_mem>>) src(%arg14 : memref<512xf32, #tpu.memory_space<vmem>>) dst(%dma_wait3A_249 : memref<512xf32, #tpu.memory_space<hbm>>)
      tpu.yield
    }) : () -> ()
    return
  }
}

</mosaic_0001>

<sc_bundles>
// kernel: kernel.3.cloned.1.call-start
scs
__scs_entry_jumppad:
0x0: {  	(pc) =	sbr.rel $0x88, $3  }
0x1: {  	(tag) =	ssettag $0x0;
	lr =	simm.s32 $0x1  }
0x2: {  	[smem:$0x3F9E] =	sst lr;
	_ =	strace $0xD0000000  }
0x3: {  	_ = 	snop  }
0x4: {  	_ = 	snop  }
0x5: {  	_ = 	snop  }
0x6: {  	_ = 	snop  }
0x7: {  	_ = 	snop  }
__scs_overlays_trampoline_lowered:
0x8: {  	[smem:$0x3FAD] =	sst s0  }
0x9: {  	[smem:$0x3FAE] =	sst s1  }
0xa: {  	[smem:$0x3FAF] =	sst s2  }
0xb: {  	[smem:$0x3FB0] =	sst s3  }
0xc: {  	[smem:$0x3FB1] =	sst s4  }
0xd: {  	[smem:$0x3FB2] =	sst s5  }
0xe: {  	[smem:$0x3FB3] =	sst s6  }
0xf: {  	[smem:$0x3FB4] =	sst s7  }
0x10: {  	[smem:$0x3FB5] =	sst s8  }
0x11: {  	[smem:$0x3FB6] =	sst s9;
	s0 =	simm.s32 @!p0 $0x0  }
0x12: {  	s1 =	sld [smem:$0x3F9C];
	s0 =	simm.s32 @p0 $0x1  }
0x13: {  	[smem:$0x3FB7] =	sst s0;
	s0 =	simm.s32 @!p1 $0x0  }
0x14: {  	s2 =	sld [smem:$0x3F9B];
	s0 =	simm.s32 @p1 $0x1  }
0x15: {  	[smem:$0x3FB8] =	sst s0;
	s0 =	simm.s32 @!p2 $0x0  }
0x16: {  	s3 =	sld [smem:$0x3FDB];
	s0 =	simm.s32 @p2 $0x1  }
0x17: {  	s4 =	simm.s32 $0x1BF5;
	[smem:$0x3FBA] =	sst s0  }
0x18: {  	s0 =	sld [smem:$0x3F9D];
	_ =	swait.ge [sflag:s4], $0x0  }
0x19: {  	s7 =	sld [smem:$0x3F9E]  }
0x1a: {  	s8 =	sadd.s32 $0xFFFFE003, lr  }
0x1b: {  	s9 =	sadd.s32 $0xFFFFFEF7, lr;
	s5 =	simm.s32 $0xFFFFFFFF;
	p2 =	slt.u32 s8, $0xFFFFF086  }
0x1c: {  	p1 =	slt.u32 s9, $0xF7A;
	s5 =	simm.s32 @!p2 $0x0  }
0x1d: {  	s5 =	simm.s32 @p1 $0x1;
	p0 =	seq.s32 s7, s2  }
0x1e: {  	s7 =	smul.u32 @!p0 $0xF7A, s2;
	p2 =	seq.s32 @!p0 s5, $0x0  }
0x1f: {  	s9 =	smul.u32 $0xF7A, s1;
	s8 =	simm.s32 @!p0 $0x1BF5;
	p2 =	por !p2, p0  }
0x20: {  	[sflag:s8] =	ssyncset.s32 @!p0 $0xFFFFF086;
	s6 =	sadd.s32 @!p0 s3, s7;
	s7 =	simm.s32 @!p0 $0x108  }
0x21: {  	s3 =	sadd.s32 s3, s9;
	s6 =	sadd.s32 @!p0 $0x88, s6;
	s7 =	simm.s32 @p2 $0x1082  }
0x22: {  	[simem:s7], [sflag:s8] =	dma.local @!p0 [hbm:s6], $0xF7A  }
0x23: {  	s9 =	sor.u32 $0xD0000000, s2;
	s6 =	simm.s32 $0x108;
	_ =	swait.ge @!p0 [sflag:s8], $0x0  }
0x24: {  	s3 =	sadd.s32 $0x88, s3;
	s6 =	simm.s32 @!p1 $0x1082;
	[sflag:s4] =	ssyncset.s32 $0xFFFFF086  }
0x25: {  	[simem:s6], [sflag:s4] =	dma.local [hbm:s3], $0xF7A  }
0x26: {  	[smem:$0x3F9E] =	sst s1;
	(tag) =	ssettag s2;
	_ =	strace s9  }
0x27: {  	s1 =	sld [smem:$0x3FAE]  }
0x28: {  	s2 =	sld [smem:$0x3FAF]  }
0x29: {  	s4 =	sld [smem:$0x3FB1]  }
0x2a: {  	p0 =	seq.s32 s5, $0x0;
	s5 =	sld [smem:$0x3FB2]  }
0x2b: {  	s6 =	sld [smem:$0x3FB3]  }
0x2c: {  	s7 =	sld [smem:$0x3FB4]  }
0x2d: {  	s3 =	simm.s32 $0x108;
	s8 =	sld [smem:$0x3FB5]  }
0x2e: {  	s3 =	simm.s32 @!p0 $0x1082;
	s9 =	sld [smem:$0x3FB6]  }
0x2f: {  	lr =	sadd.s32 s0, s3;
	s0 =	sld [smem:$0x3FAD]  }
0x30: {  	s3 =	sld [smem:$0x3FB0]  }
0x31: {  	[smem:$0x3FB9] =	sst s10  }
0x32: {  	s10 =	sld [smem:$0x3FB7];
	_ =	sdelay $0x3  }
0x33: {  	p0 =	seq.s32 s10, $0x1;
	s10 =	sld [smem:$0x3FB9];
	_ =	sdelay $0x3  }
0x34: {  	[smem:$0x3FB9] =	sst s10  }
0x35: {  	s10 =	sld [smem:$0x3FB8];
	_ =	sdelay $0x3  }
0x36: {  	p1 =	seq.s32 s10, $0x1;
	s10 =	sld [smem:$0x3FB9];
	_ =	sdelay $0x3  }
0x37: {  	[smem:$0x3FB9] =	sst s10  }
0x38: {  	s10 =	sld [smem:$0x3FBA]  }
0x39: {  	_ = 	snop;
	(pc) =	sbr.ind lr, $3  }
0x3a: {  	_ = 	snop  }
0x3b: {  	_ = 	snop  }
0x3c: {  	p2 =	seq.s32 s10, $0x1;
	s10 =	sld [smem:$0x3FB9]  }
0x3d: {  	_ =	shalt  }
0x3e: {  	_ =	shalt  }
0x3f: {  	_ =	shalt  }
0x40: {  	_ =	shalt  }
0x41: {  	_ =	shalt  }
0x42: {  	_ =	shalt  }
0x43: {  	_ =	shalt  }
0x44: {  	_ =	shalt  }
0x45: {  	_ =	shalt  }
0x46: {  	_ =	shalt  }
0x47: {  	_ =	shalt  }
0x48: {  	_ =	shalt  }
0x49: {  	_ =	shalt  }
0x4a: {  	_ =	shalt  }
0x4b: {  	_ =	shalt  }
0x4c: {  	_ =	shalt  }
0x4d: {  	_ =	shalt  }
0x4e: {  	_ =	shalt  }
0x4f: {  	_ =	shalt  }
0x50: {  	_ =	shalt  }
0x51: {  	_ =	shalt  }
0x52: {  	_ =	shalt  }
0x53: {  	_ =	shalt  }
0x54: {  	_ =	shalt  }
0x55: {  	_ =	shalt  }
0x56: {  	_ =	shalt  }
0x57: {  	_ =	shalt  }
0x58: {  	_ =	shalt  }
0x59: {  	_ =	shalt  }
0x5a: {  	_ =	shalt  }
0x5b: {  	_ =	shalt  }
0x5c: {  	_ =	shalt  }
0x5d: {  	_ =	shalt  }
0x5e: {  	_ =	shalt  }
0x5f: {  	_ =	shalt  }
0x60: {  	_ =	shalt  }
0x61: {  	_ =	shalt  }
0x62: {  	_ =	shalt  }
0x63: {  	_ =	shalt  }
0x64: {  	_ =	shalt  }
0x65: {  	_ =	shalt  }
0x66: {  	_ =	shalt  }
0x67: {  	_ =	shalt  }
0x68: {  	_ =	shalt  }
0x69: {  	_ =	shalt  }
0x6a: {  	_ =	shalt  }
0x6b: {  	_ =	shalt  }
0x6c: {  	_ =	shalt  }
0x6d: {  	_ =	shalt  }
0x6e: {  	_ =	shalt  }
0x6f: {  	_ =	shalt  }
0x70: {  	_ =	shalt  }
0x71: {  	_ =	shalt  }
0x72: {  	_ =	shalt  }
0x73: {  	_ =	shalt  }
0x74: {  	_ =	shalt  }
0x75: {  	_ =	shalt  }
0x76: {  	_ =	shalt  }
0x77: {  	_ =	shalt  }
0x78: {  	_ =	shalt  }
0x79: {  	_ =	shalt  }
0x7a: {  	_ =	shalt  }
0x7b: {  	_ =	shalt  }
0x7c: {  	_ =	shalt  }
0x7d: {  	_ =	shalt  }
0x7e: {  	_ =	shalt  }
0x7f: {  	_ =	shalt  }
0x80: {  	_ =	shalt  }
0x81: {  	_ =	shalt  }
0x82: {  	_ =	shalt  }
0x83: {  	_ =	shalt  }
0x84: {  	_ =	shalt  }
0x85: {  	_ =	shalt  }
0x86: {  	_ =	shalt  }
0x87: {  	_ =	shalt  }
.Lfunc_end0:
.L_simem_size_0:
called_computation_lowered:
.L_overlay_start_0:
0x88: {  	s2 =	sld [smem:$0x3FD9]  }
0x89: {  	s3 =	sld [smem:$0x3FFE];
	_ =	sdelay $0x1  }
0x8a: {  	s1 =	srdreg.scid  }
0x8b: {  	s0 =	sand.u32 $0x1, s1  }
0x8c: {  	s17 =	sshll.u32 s0, $0xA;
	s2 =	sadd.s32 s3, s2  }
0x8d: {  	s2 =	sadd.s32 s2, s17  }
0x8e: {  	[smem:$0x3FC5] =	sst s2  }
0x8f: {  	_ = 	snop  }
0x90: {  	s2 =	sld [smem:$0x3FD0];
	(tm) =	ssettm $0x1  }
0x91: {  	s18 =	sld [smem:$0x3FFB];
	_ =	sdelay $0x3  }
0x92: {  	_ =	strace s18  }
0x93: {  	s3 =	sld [smem:$0x3FFC];
	_ =	sdelay $0x3  }
0x94: {  	_ =	strace s3  }
0x95: {  	s3 =	sld [smem:$0x3FFD];
	_ =	sdelay $0x3  }
0x96: {  	_ =	strace s3  }
0x97: {  	_ =	strace $0x8FFFFFFF  }
0x98: {  	s19 =	sld [smem:$0x3FDB];
	_ =	sdelay $0x1  }
0x99: {  	s4 =	simm.s32 $_scs_section_size  }
0x9a: {  	s5 =	simm.s32 $_size__tile_overlayer_lowered;
	s6 =	simm.s32 $_tile_overlayer_lowered  }
0x9b: {  	s22 =	simm.s32 $0x1BFF;
	s21 =	sshll.u32 s6, $0x1;
	s3 =	sadd.s32 s4, s19  }
0x9c: {  	s7 =	simm.s32 $0x0;
	s20 =	sshll.u32 s5, $0x1;
	s5 =	sadd.s32 s21, s3  }
0x9d: {  	[timem:s7], [sflag:s22] =	dma.local [hbm:s5], s20  }
0x9e: {  	_ =	swait.ge [sflag:s22], s20  }
0x9f: {  	s4 =	ssub.s32 $0x0, s20;
	[sflag:s22] =	ssyncset.done $0x0  }
0xa0: {  	[sflag:s22] =	ssyncadd.s32 s4;
	_ =	sdelay $0x1  }
0xa1: {  	s23 =	simm.s32 $0x1B8B  }
0xa2: {  	_ =	swait.ge [sflag:s23], $0x1  }
0xa3: {  	[sflag:s23] =	ssyncset.done $0x0  }
0xa4: {  	s25 =	simm.s32 $0x1B8E;
	s24 =	sld [smem:$0x3FFE];
	[sflag:s23] =	ssyncadd.s32 $0xFFFFFFFF  }
0xa5: {  	s26 =	simm.s32 $execute0_lowered;
	[smem:$0x3FD2] =	sst s25  }
0xa6: {  	s5 =	sshll.u32 s26, $0x1;
	_ =	strace $0x80000046;
	[dreg:$0x1] =	wrdreg $0xFFFFFFFF  }
0xa7: {  	s28 =	simm.s32 $_size_execute0_lowered;
	s3 =	sadd.s32 s3, s5;
	[dreg:$0x0] =	wrdreg $0x0  }
0xa8: {  	s5 =	sshll.u32 s28, $0x1;
	[dreg:$0x2] =	wrdreg s3  }
0xa9: {  	[dreg:$0x3] =	wrdreg s5  }
0xaa: {  	[dreg:$0x4] =	wrdreg $0xC0  }
0xab: {  	_ =	task [dreg:s7], $0x5FFFF  }
0xac: {  	[dreg:$0x1] =	wrdreg $0xFFFFFFFF  }
0xad: {  	[dreg:$0x0] =	wrdreg $0x60  }
0xae: {  	[dreg:$0x2] =	wrdreg s24  }
0xaf: {  	[dreg:$0x3] =	wrdreg s2  }
0xb0: {  	[dreg:$0x4] =	wrdreg $0x9  }
0xb1: {  	_ =	task.clear_ibuf [dreg:s7], $0x5FFFF;
	_ =	strace $0x90000046  }
0xb2: {  	s29 =	simm.s32 $0x9;
	_ =	strace $0x80000048  }
0xb3: {  	_ =	swait.ge [sflag:s29], $0x1  }
0xb4: {  	[sflag:s29] =	ssyncadd.s32 $0xFFFFFFFF  }
0xb5: {  	_ =	strace $0x90000048  }
0xb6: {  	_ =	sfence  }
0xb7: {  	s30 =	sld [smem:$0x0];
	_ =	sdelay $0x2  }
0xb8: {  	s31 =	sshll.u32 s1, $0xD;
	s1 =	sshrl.u32 s1, $0x2  }
0xb9: {  	s3 =	sand.u32 $0x4000, s31;
	s1 =	sadd.s32 s1, s30  }
0xba: {  	s0 =	sor.u32 s3, s0;
	s1 =	sshll.u32 s1, $0x11  }
0xbb: {  	s0 =	sor.u32 s1, s0  }
0xbc: {  	s0 =	sadd.s32 $0x8F2B, s0  }
0xbd: {  	[sflag:s0] =	ssyncadd.remote.s32 $0x1  }
0xbe: {  	_ =	sfence.sel $0xFFFF  }
0xbf: {  	[dreg:$0x0] =	wrdreg $0xFFFFFFFF;
	(pc) =	sbr.abs _section_cstart, $3  }
0xc0: {  	[dreg:$0x1] =	wrdreg $0xFFFFFFFF  }
0xc1: {  	_ =	task.clear_ibuf [dreg:s7], $0x2FFFF;
	_ =	strace $0x9FFFFFFF  }
0xc2: {  	(tm) =	ssettm $0x7FFFFFFF  }
0xc3: {  	_ =	shalt  }
tec
execute0_lowered:
.L_overlay_start_1:
0x0: {  	(tag) =	ssettag $0x1  }
0x1: {  	s0 =	rddreg [dreg:$0x0]  }
0x2: {  	s1 =	rddreg [dreg:$0x1]  }
0x3: {  	s2 =	srdreg.scid;
	s4 =	stileid.u32  }
0x4: {  	s10 =	simm.s32 $0x2;
	s11 =	simm.s32 $0x200;
	s12 =	simm.s32 $0x400  }
0x5: {  	s13 =	simm.s32 $0x80;
	s14 =	simm.s32 $0x600;
	s15 =	simm.s32 $0x4600  }
0x6: {  	s16 =	simm.s32 $0x8600;
	s23 =	simm.s32 $0x2600;
	s24 =	simm.s32 $0x300  }
0x7: {  	s28 =	simm.s32 $0xA600;
	s29 =	simm.s32 $0x180;
	s30 =	simm.s32 $0x3600  }
0x8: {  	s31 =	simm.s32 $0x380;
	s17 =	simm.s32 $0xB600;
	s18 =	simm.s32 $0x1  }
0x9: {  	s19 =	simm.s32 $0xC600;
	s20 =	simm.s32 $0x0;
	s3 =	sand.u32 $0x1, s2  }
0xa: {  	s2 =	simm.s32 $0x0;
	s4 =	sshll.u32 s4, $0x7;
	s5 =	sshll.u32 s3, $0x6  }
0xb: {  	[smem:$0x7FF] =	sst s2;
	s25 =	ssub.s32 $0x2, s3;
	s3 =	sadd.s32 $0xF44200, s0  }
0xc: {  	s8 =	sor.u32 s5, s4;
	_ =	strace $0x80000047;
	s26 =	sshrl.u32 s25, $0x1  }
0xd: {  	v0 =	vlaneseq.u32;
	s4 =	sadd.s32 $0x1314C00, s0;
	s7 =	sadd.s32 s8, s0;
	s0 =	ssub.s32 s25, s26  }
0xe: {  	v0 =	vmul.u32 $0x20, v0;
	s8 =	sadd.s32 s1, s8;
	s25 =	simm.s32 $0x6600;
	s26 =	simm.s32 $0x500  }
0xf: {  	s1 =	simm.s32 $0x580;
	s5 =	sadd.s32 $0x1600, s7;
	s6 =	sadd.s32 $0xE00, s7  }
0x10: {  	[tilespmem:$0x1FFF0] =	vst v0;
	s7 =	sadd.s32 $0x600, s7;
	s9 =	smax.u32 s0, $0x1;
	s0 =	simm.s32 $0x7600  }
.LBB2_1:
0x11: {  	[tilespmem:s2], [sflag:$0x2] =	stream.linear.gather [hbm4b:s5+s2], $0x200, $0x38;
	[tilespmem:$0xC800] =	vst v63  }
0x12: {  	_ =	swait.ge [sflag:s10], $0x200  }
0x13: {  	[sflag:s10] =	ssyncset.done $0x0  }
0x14: {  	[sflag:s10] =	ssyncadd.s32 $0xFFFFFE00  }
0x15: {  	[tilespmem:s11], [sflag:$0x2] =	stream.linear.gather [hbm4b:s6+s2], $0x200, $0x38;
	[tilespmem:$0xC800] =	vst v63  }
0x16: {  	_ =	swait.ge [sflag:s10], $0x200  }
0x17: {  	[sflag:s10] =	ssyncset.done $0x0  }
0x18: {  	[sflag:s10] =	ssyncadd.s32 $0xFFFFFE00  }
0x19: {  	[tilespmem:s12], [sflag:$0x2] =	stream.linear.gather [hbm4b:s7+s2], $0x200, $0x38;
	[tilespmem:$0xC800] =	vst v63  }
0x1a: {  	_ =	swait.ge [sflag:s10], $0x200  }
0x1b: {  	[sflag:s10] =	ssyncset.done $0x0  }
0x1c: {  	[sflag:s10] =	ssyncadd.s32 $0xFFFFFE00  }
0x1d: {  	[tilespmem:s14], [sflag:$0x1] =	stream.indirect.gather [hbm4b:s3+s13], $0x20, s2, s13, $0xb8;
	[tilespmem:$0xC800] =	vst v63  }
0x1e: {  	_ = 	snop  }
0x1f: {  	[tilespmem:s15], [sflag:$0x1] =	stream.indirect.gather [hbm4b:s4+s13], $0x20, s11, s13, $0xb8;
	[tilespmem:$0xC800] =	vst v63  }
0x20: {  	_ = 	snop  }
0x21: {  	[tilespmem:s16], [sflag:$0x1] =	stream.indirect.gather [hbm4b:s3+s13], $0x20, s12, s13, $0xb8;
	[tilespmem:$0xC800] =	vst v63  }
0x22: {  	s21 =	simm.s32 $0x1600  }
0x23: {  	[tilespmem:s21], [sflag:$0x1] =	stream.indirect.gather [hbm4b:s3+s13], $0x20, s13, s13, $0xb8;
	[tilespmem:$0xC800] =	vst v63  }
0x24: {  	s22 =	simm.s32 $0x5600;
	s21 =	simm.s32 $0x280  }
0x25: {  	[tilespmem:s22], [sflag:$0x1] =	stream.indirect.gather [hbm4b:s4+s13], $0x20, s21, s13, $0xb8;
	[tilespmem:$0xC800] =	vst v63  }
0x26: {  	s21 =	simm.s32 $0x480;
	s22 =	simm.s32 $0x9600  }
0x27: {  	[tilespmem:s22], [sflag:$0x1] =	stream.indirect.gather [hbm4b:s3+s13], $0x20, s21, s13, $0xb8;
	[tilespmem:$0xC800] =	vst v63  }
0x28: {  	s22 =	simm.s32 $0x100  }
0x29: {  	[tilespmem:s23], [sflag:$0x1] =	stream.indirect.gather [hbm4b:s3+s13], $0x20, s22, s13, $0xb8;
	[tilespmem:$0xC800] =	vst v63  }
0x2a: {  	_ = 	snop  }
0x2b: {  	[tilespmem:s25], [sflag:$0x1] =	stream.indirect.gather [hbm4b:s4+s13], $0x20, s24, s13, $0xb8;
	[tilespmem:$0xC800] =	vst v63  }
0x2c: {  	_ = 	snop  }
0x2d: {  	[tilespmem:s28], [sflag:$0x1] =	stream.indirect.gather [hbm4b:s3+s13], $0x20, s26, s13, $0xb8;
	[tilespmem:$0xC800] =	vst v63  }
0x2e: {  	_ = 	snop  }
0x2f: {  	[tilespmem:s30], [sflag:$0x1] =	stream.indirect.gather [hbm4b:s3+s13], $0x20, s29, s13, $0xb8;
	[tilespmem:$0xC800] =	vst v63  }
0x30: {  	_ = 	snop  }
0x31: {  	[tilespmem:s0], [sflag:$0x1] =	stream.indirect.gather [hbm4b:s4+s13], $0x20, s31, s13, $0xb8;
	[tilespmem:$0xC800] =	vst v63  }
0x32: {  	_ = 	snop  }
0x33: {  	[tilespmem:s17], [sflag:$0x1] =	stream.indirect.gather [hbm4b:s3+s13], $0x20, s1, s13, $0xb8;
	[tilespmem:$0xC800] =	vst v63  }
0x34: {  	_ =	swait.ge [sflag:s18], $0x1000  }
0x35: {  	[sflag:s18] =	ssyncset.done $0x0  }
0x36: {  	[sflag:s18] =	ssyncadd.s32 $0xFFFFF000  }
0x37: {  	_ =	swait.ge [sflag:s18], $0x1000  }
0x38: {  	[sflag:s18] =	ssyncset.done $0x0  }
0x39: {  	[sflag:s18] =	ssyncadd.s32 $0xFFFFF000  }
0x3a: {  	_ =	swait.ge [sflag:s18], $0x1000  }
0x3b: {  	[sflag:s18] =	ssyncset.done $0x0  }
0x3c: {  	[sflag:s18] =	ssyncadd.s32 $0xFFFFF000  }
0x3d: {  	_ =	swait.ge [sflag:s18], $0x1000  }
0x3e: {  	[sflag:s18] =	ssyncset.done $0x0  }
0x3f: {  	[sflag:s18] =	ssyncadd.s32 $0xFFFFF000  }
0x40: {  	_ =	swait.ge [sflag:s18], $0x1000  }
0x41: {  	[sflag:s18] =	ssyncset.done $0x0  }
0x42: {  	[sflag:s18] =	ssyncadd.s32 $0xFFFFF000  }
0x43: {  	_ =	swait.ge [sflag:s18], $0x1000  }
0x44: {  	[sflag:s18] =	ssyncset.done $0x0  }
0x45: {  	[sflag:s18] =	ssyncadd.s32 $0xFFFFF000  }
0x46: {  	_ =	swait.ge [sflag:s18], $0x1000  }
0x47: {  	[sflag:s18] =	ssyncset.done $0x0  }
0x48: {  	[sflag:s18] =	ssyncadd.s32 $0xFFFFF000  }
0x49: {  	_ =	swait.ge [sflag:s18], $0x1000  }
0x4a: {  	[sflag:s18] =	ssyncset.done $0x0  }
0x4b: {  	[sflag:s18] =	ssyncadd.s32 $0xFFFFF000  }
0x4c: {  	_ =	swait.ge [sflag:s18], $0x1000  }
0x4d: {  	[sflag:s18] =	ssyncset.done $0x0  }
0x4e: {  	[sflag:s18] =	ssyncadd.s32 $0xFFFFF000  }
0x4f: {  	_ =	swait.ge [sflag:s18], $0x1000  }
0x50: {  	v1 =	vmov s2;
	[sflag:s18] =	ssyncset.done $0x0  }
0x51: {  	v1 =	vshll.u32 v1, $0x5;
	[sflag:s18] =	ssyncadd.s32 $0xFFFFF000  }
0x52: {  	v6 =	vor.u32 v0, v1;
	_ =	swait.ge [sflag:s18], $0x1000  }
0x53: {  	v4 =	vor.u32 $0x1E, v6;
	[sflag:s18] =	ssyncset.done $0x0  }
0x54: {  	v12 =	vor.u32 $0x1A, v6;
	[sflag:s18] =	ssyncadd.s32 $0xFFFFF000  }
0x55: {  	v14 =	vor.u32 $0x19, v6;
	_ =	swait.ge [sflag:s18], $0x1000  }
0x56: {  	v16 =	vor.u32 $0x18, v6;
	[sflag:s18] =	ssyncset.done $0x0  }
0x57: {  	v18 =	vor.u32 $0x17, v6;
	[sflag:s18] =	ssyncadd.s32 $0xFFFFF000  }
0x58: {  	v20 =	vor.u32 $0x16, v6;
	v1 =	vld.idx.msk [tilespmem:v4+s16+$0x0], $0xffff  }
0x59: {  	v22 =	vor.u32 $0x15, v6;
	v9 =	vld.idx.msk [tilespmem:v12+s16+$0x0], $0xffff  }
0x5a: {  	v24 =	vor.u32 $0x14, v6;
	v11 =	vld.idx.msk [tilespmem:v14+s16+$0x0], $0xffff  }
0x5b: {  	v26 =	vor.u32 $0x13, v6;
	v13 =	vld.idx.msk [tilespmem:v16+s16+$0x0], $0xffff  }
0x5c: {  	v28 =	vor.u32 $0x12, v6;
	v15 =	vld.idx.msk [tilespmem:v18+s16+$0x0], $0xffff  }
0x5d: {  	v30 =	vor.u32 $0x11, v6;
	v17 =	vld.idx.msk [tilespmem:v20+s16+$0x0], $0xffff  }
0x5e: {  	v31 =	vor.u32 $0x10, v6;
	v19 =	vld.idx.msk [tilespmem:v22+s16+$0x0], $0xffff  }
0x5f: {  	v32 =	vor.u32 $0xF, v6;
	v21 =	vld.idx.msk [tilespmem:v24+s16+$0x0], $0xffff  }
0x60: {  	v33 =	vor.u32 $0xE, v6;
	v23 =	vld.idx.msk [tilespmem:v26+s16+$0x0], $0xffff  }
0x61: {  	v34 =	vor.u32 $0xD, v6;
	v25 =	vld.idx.msk [tilespmem:v28+s16+$0x0], $0xffff  }
0x62: {  	v35 =	vor.u32 $0xC, v6;
	v27 =	vld.idx.msk [tilespmem:v30+s16+$0x0], $0xffff  }
0x63: {  	v36 =	vor.u32 $0xB, v6;
	v29 =	vld.idx.msk [tilespmem:v31+s16+$0x0], $0xffff  }
0x64: {  	v37 =	vor.u32 $0xA, v6;
	v38 =	vld.idx.msk [tilespmem:v32+s16+$0x0], $0xffff  }
0x65: {  	v39 =	vor.u32 $0x9, v6;
	v40 =	vld.idx.msk [tilespmem:v33+s16+$0x0], $0xffff  }
0x66: {  	v42 =	vor.u32 $0x4, v6;
	v41 =	vld.idx.msk [tilespmem:v34+s16+$0x0], $0xffff  }
0x67: {  	v44 =	vor.u32 $0x3, v6;
	v43 =	vld.idx.msk [tilespmem:v35+s16+$0x0], $0xffff  }
0x68: {  	v45 =	vld.idx.msk [tilespmem:v36+s16+$0x0], $0xffff  }
0x69: {  	v46 =	vld.idx.msk [tilespmem:v37+s16+$0x0], $0xffff  }
0x6a: {  	v48 =	vor.u32 $0x2, v6;
	v47 =	vld.idx.msk [tilespmem:v39+s16+$0x0], $0xffff  }
0x6b: {  	v49 =	vld.idx.msk [tilespmem:v42+s16+$0x0], $0xffff  }
0x6c: {  	v50 =	vld.idx.msk [tilespmem:v44+s16+$0x0], $0xffff  }
0x6d: {  	v51 =	vor.u32 $0x1, v6;
	v52 =	vld.idx.msk [tilespmem:v44+s14+$0x0], $0xffff  }
0x6e: {  	v53 =	vld.idx.msk [tilespmem:v6+s16+$0x0], $0xffff  }
0x6f: {  	v54 =	vld.idx.msk [tilespmem:v48+s14+$0x0], $0xffff  }
0x70: {  	v5 =	vor.u32 $0x1D, v6;
	v55 =	vld.idx.msk [tilespmem:v6+s15+$0x0], $0xffff  }
0x71: {  	v56 =	vld.idx.msk [tilespmem:v6+s14+$0x0], $0xffff  }
0x72: {  	v57 =	vld.idx.msk [tilespmem:v51+s14+$0x0], $0xffff  }
0x73: {  	v58 =	vld.idx.msk [tilespmem:v51+s15+$0x0], $0xffff  }
0x74: {  	v60 =	vor.u32 $0x8, v6;
	v59 =	vld.idx.msk [tilespmem:v48+s15+$0x0], $0xffff  }
0x75: {  	v8 =	vor.u32 $0x1C, v6;
	[tilespmem:$0x1FFB0] =	vst v1;
	v1 =	vld.idx.msk [tilespmem:v5+s16+$0x0], $0xffff  }
0x76: {  	v61 =	vor.u32 $0x7, v6;
	v51 =	vld.idx.msk [tilespmem:v51+s16+$0x0], $0xffff  }
0x77: {  	v62 =	vor.u32 $0x6, v6;
	v44 =	vld.idx.msk [tilespmem:v44+s15+$0x0], $0xffff  }
0x78: {  	v63 =	vor.u32 $0x5, v6;
	v48 =	vld.idx.msk [tilespmem:v48+s16+$0x0], $0xffff  }
0x79: {  	v3 =	vld.idx.msk [tilespmem:v60+s16+$0x0], $0xffff  }
0x7a: {  	[tilespmem:$0x1FFA0] =	vst v1;
	v1 =	vld.idx.msk [tilespmem:v8+s16+$0x0], $0xffff  }
0x7b: {  	v2 =	vld.idx.msk [tilespmem:v61+s16+$0x0], $0xffff  }
0x7c: {  	v55 =	vadd.f32 v55, v56;
	v56 =	vadd.f32 v58, v57;
	v57 =	vld.idx.msk [tilespmem:v62+s16+$0x0], $0xffff  }
0x7d: {  	v58 =	vld.idx.msk [tilespmem:v63+s16+$0x0], $0xffff  }
0x7e: {  	v54 =	vadd.f32 v59, v54;
	v59 =	vld.idx.msk [tilespmem:v63+s15+$0x0], $0xffff  }
0x7f: {  	[tilespmem:$0x1FF90] =	vst v1;
	v1 =	vld.idx.msk [tilespmem:v42+s14+$0x0], $0xffff  }
0x80: {  	v42 =	vld.idx.msk [tilespmem:v42+s15+$0x0], $0xffff  }
0x81: {  	v53 =	vsub.f32 v55, v53;
	v51 =	vsub.f32 v56, v51;
	v55 =	vld.idx.msk [tilespmem:v63+s14+$0x0], $0xffff  }
0x82: {  	v44 =	vadd.f32 v44, v52;
	v48 =	vsub.f32 v54, v48;
	v54 =	vld.idx.msk [tilespmem:v62+s14+$0x0], $0xffff  }
0x83: {  	v63 =	vld.idx.msk [tilespmem:v62+s15+$0x0], $0xffff;
	v53 =	vand.u32 $0x7FFFFFFF, v53;
	v51 =	vand.u32 $0x7FFFFFFF, v51  }
0x84: {  	v44 =	vsub.f32 v44, v50;
	v50 =	vld.idx.msk [tilespmem:v61+s15+$0x0], $0xffff;
	v51 =	vadd.f32 v51, v53  }
0x85: {  	v62 =	vld.idx.msk [tilespmem:v39+s14+$0x0], $0xffff;
	v48 =	vand.u32 $0x7FFFFFFF, v48;
	v1 =	vadd.f32 v42, v1  }
0x86: {  	v48 =	vadd.f32 v48, v51;
	v42 =	vld.idx.msk [tilespmem:v61+s14+$0x0], $0xffff  }
0x87: {  	v44 =	vand.u32 $0x7FFFFFFF, v44;
	v56 =	vadd.f32 v59, v55;
	v59 =	vld.idx.msk [tilespmem:v60+s14+$0x0], $0xffff;
	v1 =	vsub.f32 v1, v49  }
0x88: {  	v60 =	vld.idx.msk [tilespmem:v60+s15+$0x0], $0xffff;
	v44 =	vadd.f32 v44, v48  }
0x89: {  	v39 =	vld.idx.msk [tilespmem:v39+s15+$0x0], $0xffff;
	v61 =	vadd.f32 v63, v54;
	v49 =	vsub.f32 v56, v58;
	v1 =	vand.u32 $0x7FFFFFFF, v1  }
0x8a: {  	v63 =	vld.idx.msk [tilespmem:v37+s14+$0x0], $0xffff;
	v1 =	vadd.f32 v1, v44  }
0x8b: {  	v37 =	vld.idx.msk [tilespmem:v37+s15+$0x0], $0xffff;
	v52 =	vsub.f32 v61, v57;
	v49 =	vand.u32 $0x7FFFFFFF, v49;
	v42 =	vadd.f32 v50, v42  }
0x8c: {  	v56 =	vld.idx.msk [tilespmem:v36+s14+$0x0], $0xffff;
	v1 =	vadd.f32 v49, v1  }
0x8d: {  	v58 =	vadd.f32 v60, v59;
	v36 =	vld.idx.msk [tilespmem:v36+s15+$0x0], $0xffff;
	v57 =	vand.u32 $0x7FFFFFFF, v52;
	v2 =	vsub.f32 v42, v2  }
0x8e: {  	v59 =	vld.idx.msk [tilespmem:v35+s14+$0x0], $0xffff;
	v1 =	vadd.f32 v57, v1  }
0x8f: {  	v39 =	vadd.f32 v39, v62;
	v35 =	vld.idx.msk [tilespmem:v35+s15+$0x0], $0xffff;
	v3 =	vsub.f32 v58, v3;
	v2 =	vand.u32 $0x7FFFFFFF, v2  }
0x90: {  	v60 =	vld.idx.msk [tilespmem:v32+s14+$0x0], $0xffff;
	v1 =	vadd.f32 v2, v1  }
0x91: {  	v39 =	vsub.f32 v39, v47;
	v37 =	vadd.f32 v37, v63;
	v3 =	vand.u32 $0x7FFFFFFF, v3;
	v2 =	vld.idx.msk [tilespmem:v34+s14+$0x0], $0xffff  }
0x92: {  	v34 =	vld.idx.msk [tilespmem:v34+s15+$0x0], $0xffff;
	v1 =	vadd.f32 v3, v1  }
0x93: {  	v39 =	vand.u32 $0x7FFFFFFF, v39;
	v37 =	vsub.f32 v37, v46;
	v36 =	vadd.f32 v36, v56;
	v3 =	vld.idx.msk [tilespmem:v33+s14+$0x0], $0xffff  }
0x94: {  	v33 =	vld.idx.msk [tilespmem:v33+s15+$0x0], $0xffff;
	v1 =	vadd.f32 v39, v1  }
0x95: {  	v32 =	vld.idx.msk [tilespmem:v32+s15+$0x0], $0xffff;
	v35 =	vadd.f32 v35, v59;
	v37 =	vand.u32 $0x7FFFFFFF, v37;
	v36 =	vsub.f32 v36, v45  }
0x96: {  	v61 =	vld.idx.msk [tilespmem:v31+s14+$0x0], $0xffff;
	v1 =	vadd.f32 v37, v1  }
0x97: {  	v31 =	vld.idx.msk [tilespmem:v31+s15+$0x0], $0xffff;
	v35 =	vsub.f32 v35, v43;
	v36 =	vand.u32 $0x7FFFFFFF, v36;
	v2 =	vadd.f32 v34, v2  }
0x98: {  	v62 =	vld.idx.msk [tilespmem:v30+s14+$0x0], $0xffff;
	v1 =	vadd.f32 v36, v1  }
0x99: {  	v30 =	vld.idx.msk [tilespmem:v30+s15+$0x0], $0xffff;
	v35 =	vand.u32 $0x7FFFFFFF, v35;
	v2 =	vsub.f32 v2, v41;
	v3 =	vadd.f32 v33, v3  }
0x9a: {  	v63 =	vld.idx.msk [tilespmem:v28+s14+$0x0], $0xffff;
	v1 =	vadd.f32 v35, v1  }
0x9b: {  	v28 =	vld.idx.msk [tilespmem:v28+s15+$0x0], $0xffff;
	v32 =	vadd.f32 v32, v60;
	v2 =	vand.u32 $0x7FFFFFFF, v2;
	v3 =	vsub.f32 v3, v40  }
0x9c: {  	v31 =	vadd.f32 v31, v61;
	v1 =	vadd.f32 v2, v1;
	v2 =	vld.idx.msk [tilespmem:v26+s14+$0x0], $0xffff  }
0x9d: {  	v32 =	vsub.f32 v32, v38;
	v3 =	vand.u32 $0x7FFFFFFF, v3;
	v26 =	vld.idx.msk [tilespmem:v26+s15+$0x0], $0xffff  }
0x9e: {  	v29 =	vsub.f32 v31, v29;
	v31 =	vld.idx.msk [tilespmem:v22+s14+$0x0], $0xffff;
	v1 =	vadd.f32 v3, v1  }
0x9f: {  	v30 =	vadd.f32 v30, v62;
	v32 =	vand.u32 $0x7FFFFFFF, v32;
	v3 =	vld.idx.msk [tilespmem:v24+s14+$0x0], $0xffff  }
0xa0: {  	v24 =	vld.idx.msk [tilespmem:v24+s15+$0x0], $0xffff;
	v1 =	vadd.f32 v32, v1  }
0xa1: {  	v27 =	vsub.f32 v30, v27;
	v22 =	vld.idx.msk [tilespmem:v22+s15+$0x0], $0xffff;
	v28 =	vadd.f32 v28, v63;
	v29 =	vand.u32 $0x7FFFFFFF, v29  }
0xa2: {  	v2 =	vadd.f32 v26, v2;
	v26 =	vld.idx.msk [tilespmem:v18+s14+$0x0], $0xffff;
	v1 =	vadd.f32 v29, v1  }
0xa3: {  	v27 =	vand.u32 $0x7FFFFFFF, v27;
	v25 =	vsub.f32 v28, v25;
	v18 =	vld.idx.msk [tilespmem:v18+s15+$0x0], $0xffff  }
0xa4: {  	v29 =	vld.idx.msk [tilespmem:v20+s14+$0x0], $0xffff;
	v1 =	vadd.f32 v27, v1  }
0xa5: {  	v25 =	vand.u32 $0x7FFFFFFF, v25;
	v20 =	vld.idx.msk [tilespmem:v20+s15+$0x0], $0xffff;
	v2 =	vsub.f32 v2, v23;
	v3 =	vadd.f32 v24, v3  }
0xa6: {  	v10 =	vor.u32 $0x1B, v6;
	v23 =	vld.idx.msk [tilespmem:v16+s14+$0x0], $0xffff;
	v1 =	vadd.f32 v25, v1  }
0xa7: {  	v16 =	vld.idx.msk [tilespmem:v16+s15+$0x0], $0xffff;
	v2 =	vand.u32 $0x7FFFFFFF, v2;
	v3 =	vsub.f32 v3, v21;
	v21 =	vadd.f32 v22, v31  }
0xa8: {  	v1 =	vadd.f32 v2, v1;
	v2 =	vld.idx.msk [tilespmem:v14+s14+$0x0], $0xffff  }
0xa9: {  	v3 =	vand.u32 $0x7FFFFFFF, v3;
	v19 =	vsub.f32 v21, v19;
	v14 =	vld.idx.msk [tilespmem:v14+s15+$0x0], $0xffff  }
0xaa: {  	v20 =	vadd.f32 v20, v29;
	v1 =	vadd.f32 v3, v1;
	v3 =	vld.idx.msk [tilespmem:v12+s14+$0x0], $0xffff  }
0xab: {  	v12 =	vld.idx.msk [tilespmem:v12+s15+$0x0], $0xffff  }
0xac: {  	v7 =	vld.idx.msk [tilespmem:v10+s16+$0x0], $0xffff;
	v18 =	vadd.f32 v18, v26;
	v19 =	vand.u32 $0x7FFFFFFF, v19;
	v17 =	vsub.f32 v20, v17  }
0xad: {  	v16 =	vadd.f32 v16, v23;
	v1 =	vadd.f32 v19, v1;
	v19 =	vld.idx.msk [tilespmem:v10+s14+$0x0], $0xffff  }
0xae: {  	v15 =	vsub.f32 v18, v15;
	v17 =	vand.u32 $0x7FFFFFFF, v17;
	v10 =	vld.idx.msk [tilespmem:v10+s15+$0x0], $0xffff  }
0xaf: {  	v13 =	vsub.f32 v16, v13;
	v1 =	vadd.f32 v17, v1  }
0xb0: {  	v15 =	vand.u32 $0x7FFFFFFF, v15;
	v2 =	vadd.f32 v14, v2;
	v3 =	vadd.f32 v12, v3  }
0xb1: {  	v1 =	vadd.f32 v15, v1  }
0xb2: {  	v13 =	vand.u32 $0x7FFFFFFF, v13;
	v2 =	vsub.f32 v2, v11;
	v3 =	vsub.f32 v3, v9  }
0xb3: {  	v9 =	vadd.f32 v10, v19;
	v1 =	vadd.f32 v13, v1  }
0xb4: {  	v17 =	vld.idx.msk [tilespmem:v8+s14+$0x0], $0xffff;
	v2 =	vand.u32 $0x7FFFFFFF, v2  }
0xb5: {  	v8 =	vld.idx.msk [tilespmem:v8+s15+$0x0], $0xffff;
	v7 =	vsub.f32 v9, v7;
	v1 =	vadd.f32 v2, v1  }
0xb6: {  	v3 =	vand.u32 $0x7FFFFFFF, v3  }
0xb7: {  	v1 =	vadd.f32 v3, v1;
	v3 =	vand.u32 $0x7FFFFFFF, v7;
	v7 =	vld [tilespmem:$0x1FF90];
	_ =	sdelay $0x2  }
0xb8: {  	v8 =	vadd.f32 v8, v17  }
0xb9: {  	v14 =	vld.idx.msk [tilespmem:v5+s14+$0x0], $0xffff  }
0xba: {  	v5 =	vld.idx.msk [tilespmem:v5+s15+$0x0], $0xffff;
	v7 =	vsub.f32 v8, v7;
	_ =	sdelay $0x1  }
0xbb: {  	v6 =	vor.u32 $0x1F, v6;
	v1 =	vadd.f32 v3, v1;
	v3 =	vand.u32 $0x7FFFFFFF, v7;
	v7 =	vld [tilespmem:$0x1FFA0];
	_ =	sdelay $0x2  }
0xbc: {  	v11 =	vld.idx.msk [tilespmem:v4+s14+$0x0], $0xffff;
	v5 =	vadd.f32 v5, v14  }
0xbd: {  	v4 =	vld.idx.msk [tilespmem:v4+s15+$0x0], $0xffff  }
0xbe: {  	v9 =	vld.idx.msk [tilespmem:v6+s15+$0x0], $0xffff;
	v5 =	vsub.f32 v5, v7  }
0xbf: {  	v2 =	vld.idx.msk [tilespmem:v6+s14+$0x0], $0xffff  }
0xc0: {  	v1 =	vadd.f32 v3, v1;
	v3 =	vand.u32 $0x7FFFFFFF, v5;
	v5 =	vld [tilespmem:$0x1FFB0];
	_ =	sdelay $0x1  }
0xc1: {  	v6 =	vld.idx.msk [tilespmem:v6+s16+$0x0], $0xffff  }
0xc2: {  	v4 =	vadd.f32 v4, v11;
	_ =	sdelay $0x1  }
0xc3: {  	v2 =	vadd.f32 v9, v2;
	v4 =	vsub.f32 v4, v5  }
0xc4: {  	s22 =	simm.s32 $0x10;
	v1 =	vadd.f32 v3, v1  }
0xc5: {  	v2 =	vsub.f32 v2, v6;
	v3 =	vmov s22;
	v4 =	vand.u32 $0x7FFFFFFF, v4  }
0xc6: {  	v3 =	vshll.u32 v3, $0x5;
	v1 =	vadd.f32 v4, v1  }
0xc7: {  	v2 =	vand.u32 $0x7FFFFFFF, v2;
	v6 =	vor.u32 v0, v3  }
0xc8: {  	v3 =	vor.u32 $0x1E, v6;
	v1 =	vadd.f32 v2, v1  }
0xc9: {  	v5 =	vor.u32 $0x1D, v6  }
0xca: {  	v12 =	vor.u32 $0x1A, v6;
	v1 =	vsub.f32 $1.200000000e+01, v1  }
0xcb: {  	v14 =	vor.u32 $0x19, v6  }
0xcc: {  	v16 =	vor.u32 $0x18, v6;
	[tilespmem:s19+$0x0] =	vst v1  }
0xcd: {  	v18 =	vor.u32 $0x17, v6;
	v63 =	vld.idx.msk [tilespmem:v3+s16+$0x0], $0xffff  }
0xce: {  	v20 =	vor.u32 $0x16, v6;
	v0 =	vld.idx.msk [tilespmem:v5+s16+$0x0], $0xffff  }
0xcf: {  	v22 =	vor.u32 $0x15, v6;
	v9 =	vld.idx.msk [tilespmem:v12+s16+$0x0], $0xffff  }
0xd0: {  	v24 =	vor.u32 $0x14, v6;
	v11 =	vld.idx.msk [tilespmem:v14+s16+$0x0], $0xffff  }
0xd1: {  	v26 =	vor.u32 $0x13, v6;
	v13 =	vld.idx.msk [tilespmem:v16+s16+$0x0], $0xffff  }
0xd2: {  	v28 =	vor.u32 $0x12, v6;
	v15 =	vld.idx.msk [tilespmem:v18+s16+$0x0], $0xffff  }
0xd3: {  	v30 =	vor.u32 $0x11, v6;
	v17 =	vld.idx.msk [tilespmem:v20+s16+$0x0], $0xffff  }
0xd4: {  	v32 =	vor.u32 $0x10, v6;
	v19 =	vld.idx.msk [tilespmem:v22+s16+$0x0], $0xffff  }
0xd5: {  	v34 =	vor.u32 $0xF, v6;
	v21 =	vld.idx.msk [tilespmem:v24+s16+$0x0], $0xffff  }
0xd6: {  	v36 =	vor.u32 $0xE, v6;
	v23 =	vld.idx.msk [tilespmem:v26+s16+$0x0], $0xffff  }
0xd7: {  	v38 =	vor.u32 $0xD, v6;
	v25 =	vld.idx.msk [tilespmem:v28+s16+$0x0], $0xffff  }
0xd8: {  	v8 =	vor.u32 $0x1C, v6;
	v27 =	vld.idx.msk [tilespmem:v30+s16+$0x0], $0xffff  }
0xd9: {  	v40 =	vor.u32 $0xC, v6;
	v29 =	vld.idx.msk [tilespmem:v32+s16+$0x0], $0xffff  }
0xda: {  	v42 =	vor.u32 $0xB, v6;
	v31 =	vld.idx.msk [tilespmem:v34+s16+$0x0], $0xffff  }
0xdb: {  	v44 =	vor.u32 $0xA, v6;
	v33 =	vld.idx.msk [tilespmem:v36+s16+$0x0], $0xffff  }
0xdc: {  	v46 =	vor.u32 $0x9, v6;
	v35 =	vld.idx.msk [tilespmem:v38+s16+$0x0], $0xffff  }
0xdd: {  	v10 =	vor.u32 $0x1B, v6;
	[tilespmem:$0x1FFC0] =	vst v0;
	v0 =	vld.idx.msk [tilespmem:v8+s16+$0x0], $0xffff  }
0xde: {  	v48 =	vor.u32 $0x8, v6;
	v37 =	vld.idx.msk [tilespmem:v40+s16+$0x0], $0xffff  }
0xdf: {  	v50 =	vor.u32 $0x7, v6;
	v39 =	vld.idx.msk [tilespmem:v42+s16+$0x0], $0xffff  }
0xe0: {  	v52 =	vor.u32 $0x6, v6;
	v41 =	vld.idx.msk [tilespmem:v44+s16+$0x0], $0xffff  }
0xe1: {  	v54 =	vor.u32 $0x5, v6;
	v43 =	vld.idx.msk [tilespmem:v46+s16+$0x0], $0xffff  }
0xe2: {  	v55 =	vor.u32 $0x4, v6;
	[tilespmem:$0x1FFD0] =	vst v0;
	v0 =	vld.idx.msk [tilespmem:v10+s16+$0x0], $0xffff  }
0xe3: {  	v45 =	vld.idx.msk [tilespmem:v48+s16+$0x0], $0xffff  }
0xe4: {  	v47 =	vld.idx.msk [tilespmem:v50+s16+$0x0], $0xffff  }
0xe5: {  	v49 =	vld.idx.msk [tilespmem:v52+s16+$0x0], $0xffff  }
0xe6: {  	v51 =	vld.idx.msk [tilespmem:v54+s16+$0x0], $0xffff  }
0xe7: {  	s21 =	simm.s32 $0xC600;
	s22 =	simm.s32 $0x20;
	v56 =	vor.u32 $0x3, v6;
	v57 =	vor.u32 $0x2, v6;
	v53 =	vld.idx.msk [tilespmem:v55+s16+$0x0], $0xffff;
	[tilespmem:$0x1FFE0] =	vst v0  }
.LBB2_2:
0xe8: {  	_ =	sdelay $0x3  }
0xe9: {  	v58 =	vld.idx.msk [tilespmem:v56+s16+$0x0], $0xffff  }
0xea: {  	v60 =	vld.idx.msk [tilespmem:v56+s14+$0x0], $0xffff  }
0xeb: {  	v61 =	vld.idx.msk [tilespmem:v6+s16+$0x0], $0xffff  }
0xec: {  	v59 =	vor.u32 $0x1, v6;
	v62 =	vld.idx.msk [tilespmem:v57+s14+$0x0], $0xffff  }
0xed: {  	v0 =	vld.idx.msk [tilespmem:v6+s14+$0x0], $0xffff  }
0xee: {  	v4 =	vld.idx.msk [tilespmem:v57+s15+$0x0], $0xffff  }
0xef: {  	v56 =	vld.idx.msk [tilespmem:v56+s15+$0x0], $0xffff  }
0xf0: {  	[tilespmem:$0x1FF80] =	vst v63;
	v63 =	vld.idx.msk [tilespmem:v6+s15+$0x0], $0xffff  }
0xf1: {  	v1 =	vld.idx.msk [tilespmem:v59+s14+$0x0], $0xffff  }
0xf2: {  	v2 =	vld.idx.msk [tilespmem:v59+s15+$0x0], $0xffff  }
0xf3: {  	v57 =	vld.idx.msk [tilespmem:v57+s16+$0x0], $0xffff  }
0xf4: {  	v59 =	vld.idx.msk [tilespmem:v59+s16+$0x0], $0xffff  }
0xf5: {  	v7 =	vld.idx.msk [tilespmem:v55+s14+$0x0], $0xffff  }
0xf6: {  	v4 =	vadd.f32 v4, v62;
	v62 =	vld.idx.msk [tilespmem:v52+s14+$0x0], $0xffff  }
0xf7: {  	v0 =	vadd.f32 v63, v0;
	v63 =	vld.idx.msk [tilespmem:v52+s15+$0x0], $0xffff;
	v1 =	vadd.f32 v2, v1  }
0xf8: {  	v2 =	vld.idx.msk [tilespmem:v55+s15+$0x0], $0xffff  }
0xf9: {  	v55 =	vld.idx.msk [tilespmem:v54+s14+$0x0], $0xffff;
	v0 =	vsub.f32 v0, v61;
	v1 =	vsub.f32 v1, v59  }
0xfa: {  	v56 =	vadd.f32 v56, v60;
	v61 =	vld.idx.msk [tilespmem:v54+s15+$0x0], $0xffff  }
0xfb: {  	v4 =	vsub.f32 v4, v57;
	v0 =	vand.u32 $0x7FFFFFFF, v0;
	v1 =	vand.u32 $0x7FFFFFFF, v1  }
0xfc: {  	v0 =	vadd.f32 v1, v0;
	v1 =	vld.idx.msk [tilespmem:v50+s14+$0x0], $0xffff  }
0xfd: {  	v56 =	vsub.f32 v56, v58;
	v4 =	vand.u32 $0x7FFFFFFF, v4;
	v2 =	vadd.f32 v2, v7;
	v7 =	vld.idx.msk [tilespmem:v50+s15+$0x0], $0xffff  }
0xfe: {  	v60 =	vld.idx.msk [tilespmem:v48+s15+$0x0], $0xffff;
	v52 =	vadd.f32 v63, v62;
	v0 =	vadd.f32 v4, v0  }
0xff: {  	v57 =	vand.u32 $0x7FFFFFFF, v56;
	v62 =	vld.idx.msk [tilespmem:v46+s15+$0x0], $0xffff;
	v58 =	vadd.f32 v61, v55;
	v2 =	vsub.f32 v2, v53  }
0x100: {  	v4 =	vld.idx.msk [tilespmem:v48+s14+$0x0], $0xffff;
	v0 =	vadd.f32 v57, v0  }
0x101: {  	v61 =	vld.idx.msk [tilespmem:v46+s14+$0x0], $0xffff;
	v51 =	vsub.f32 v58, v51;
	v2 =	vand.u32 $0x7FFFFFFF, v2  }
0x102: {  	v1 =	vadd.f32 v7, v1;
	v7 =	vld.idx.msk [tilespmem:v44+s15+$0x0], $0xffff;
	v0 =	vadd.f32 v2, v0  }
0x103: {  	v49 =	vsub.f32 v52, v49;
	v51 =	vand.u32 $0x7FFFFFFF, v51;
	v2 =	vld.idx.msk [tilespmem:v44+s14+$0x0], $0xffff  }
0x104: {  	v63 =	vld.idx.msk [tilespmem:v42+s14+$0x0], $0xffff;
	v0 =	vadd.f32 v51, v0  }
0x105: {  	v52 =	vld.idx.msk [tilespmem:v42+s15+$0x0], $0xffff;
	v49 =	vand.u32 $0x7FFFFFFF, v49;
	v1 =	vsub.f32 v1, v47;
	v4 =	vadd.f32 v60, v4  }
0x106: {  	v55 =	vld.idx.msk [tilespmem:v40+s15+$0x0], $0xffff;
	v0 =	vadd.f32 v49, v0  }
0x107: {  	v53 =	vld.idx.msk [tilespmem:v40+s14+$0x0], $0xffff;
	v54 =	vadd.f32 v62, v61;
	v1 =	vand.u32 $0x7FFFFFFF, v1;
	v4 =	vsub.f32 v4, v45  }
0x108: {  	v2 =	vadd.f32 v7, v2;
	v7 =	vld.idx.msk [tilespmem:v38+s15+$0x0], $0xffff;
	v0 =	vadd.f32 v1, v0  }
0x109: {  	v43 =	vsub.f32 v54, v43;
	v4 =	vand.u32 $0x7FFFFFFF, v4;
	v1 =	vld.idx.msk [tilespmem:v38+s14+$0x0], $0xffff  }
0x10a: {  	v59 =	vld.idx.msk [tilespmem:v34+s14+$0x0], $0xffff;
	v0 =	vadd.f32 v4, v0  }
0x10b: {  	v58 =	vld.idx.msk [tilespmem:v36+s15+$0x0], $0xffff;
	v57 =	vadd.f32 v52, v63;
	v56 =	vand.u32 $0x7FFFFFFF, v43;
	v2 =	vsub.f32 v2, v41  }
0x10c: {  	v4 =	vld.idx.msk [tilespmem:v36+s14+$0x0], $0xffff;
	v0 =	vadd.f32 v56, v0  }
0x10d: {  	v40 =	vadd.f32 v55, v53;
	v60 =	vld.idx.msk [tilespmem:v34+s15+$0x0], $0xffff;
	v39 =	vsub.f32 v57, v39;
	v2 =	vand.u32 $0x7FFFFFFF, v2  }
0x10e: {  	v1 =	vadd.f32 v7, v1;
	v7 =	vld.idx.msk [tilespmem:v32+s15+$0x0], $0xffff;
	v0 =	vadd.f32 v2, v0  }
0x10f: {  	v37 =	vsub.f32 v40, v37;
	v39 =	vand.u32 $0x7FFFFFFF, v39;
	v2 =	vld.idx.msk [tilespmem:v32+s14+$0x0], $0xffff  }
0x110: {  	v61 =	vld.idx.msk [tilespmem:v30+s14+$0x0], $0xffff;
	v0 =	vadd.f32 v39, v0  }
0x111: {  	v30 =	vld.idx.msk [tilespmem:v30+s15+$0x0], $0xffff;
	v37 =	vand.u32 $0x7FFFFFFF, v37;
	v1 =	vsub.f32 v1, v35;
	v4 =	vadd.f32 v58, v4  }
0x112: {  	v62 =	vld.idx.msk [tilespmem:v28+s14+$0x0], $0xffff;
	v0 =	vadd.f32 v37, v0  }
0x113: {  	v28 =	vld.idx.msk [tilespmem:v28+s15+$0x0], $0xffff;
	v63 =	vadd.f32 v60, v59;
	v1 =	vand.u32 $0x7FFFFFFF, v1;
	v4 =	vsub.f32 v4, v33  }
0x114: {  	v2 =	vadd.f32 v7, v2;
	v7 =	vld.idx.msk [tilespmem:v26+s15+$0x0], $0xffff;
	v0 =	vadd.f32 v1, v0  }
0x115: {  	v31 =	vsub.f32 v63, v31;
	v4 =	vand.u32 $0x7FFFFFFF, v4;
	v1 =	vld.idx.msk [tilespmem:v26+s14+$0x0], $0xffff  }
0x116: {  	v0 =	vadd.f32 v4, v0;
	v4 =	vld.idx.msk [tilespmem:v24+s14+$0x0], $0xffff  }
0x117: {  	v26 =	vand.u32 $0x7FFFFFFF, v31;
	v2 =	vsub.f32 v2, v29;
	v29 =	vadd.f32 v30, v61;
	v24 =	vld.idx.msk [tilespmem:v24+s15+$0x0], $0xffff  }
0x118: {  	v0 =	vadd.f32 v26, v0;
	v26 =	vld.idx.msk [tilespmem:v22+s14+$0x0], $0xffff  }
0x119: {  	v28 =	vadd.f32 v28, v62;
	v2 =	vand.u32 $0x7FFFFFFF, v2;
	v27 =	vsub.f32 v29, v27;
	v22 =	vld.idx.msk [tilespmem:v22+s15+$0x0], $0xffff  }
0x11a: {  	v1 =	vadd.f32 v7, v1;
	v7 =	vld.idx.msk [tilespmem:v20+s15+$0x0], $0xffff;
	v0 =	vadd.f32 v2, v0  }
0x11b: {  	v25 =	vsub.f32 v28, v25;
	v27 =	vand.u32 $0x7FFFFFFF, v27;
	v2 =	vld.idx.msk [tilespmem:v20+s14+$0x0], $0xffff  }
0x11c: {  	v20 =	vld.idx.msk [tilespmem:v18+s14+$0x0], $0xffff;
	v0 =	vadd.f32 v27, v0  }
0x11d: {  	v25 =	vand.u32 $0x7FFFFFFF, v25;
	v18 =	vld.idx.msk [tilespmem:v18+s15+$0x0], $0xffff;
	v1 =	vsub.f32 v1, v23;
	v4 =	vadd.f32 v24, v4  }
0x11e: {  	v23 =	vld.idx.msk [tilespmem:v16+s14+$0x0], $0xffff;
	v0 =	vadd.f32 v25, v0  }
0x11f: {  	v16 =	vld.idx.msk [tilespmem:v16+s15+$0x0], $0xffff;
	v1 =	vand.u32 $0x7FFFFFFF, v1;
	v4 =	vsub.f32 v4, v21;
	v21 =	vadd.f32 v22, v26  }
0x120: {  	v2 =	vadd.f32 v7, v2;
	v7 =	vld.idx.msk [tilespmem:v14+s15+$0x0], $0xffff;
	v0 =	vadd.f32 v1, v0  }
0x121: {  	v4 =	vand.u32 $0x7FFFFFFF, v4;
	v19 =	vsub.f32 v21, v19;
	v1 =	vld.idx.msk [tilespmem:v14+s14+$0x0], $0xffff  }
0x122: {  	v0 =	vadd.f32 v4, v0;
	v4 =	vld.idx.msk [tilespmem:v12+s14+$0x0], $0xffff  }
0x123: {  	v14 =	vand.u32 $0x7FFFFFFF, v19;
	v2 =	vsub.f32 v2, v17;
	v12 =	vld.idx.msk [tilespmem:v12+s15+$0x0], $0xffff  }
0x124: {  	v17 =	vadd.f32 v18, v20;
	v0 =	vadd.f32 v14, v0;
	v14 =	vld.idx.msk [tilespmem:v10+s14+$0x0], $0xffff  }
0x125: {  	v10 =	vld.idx.msk [tilespmem:v10+s15+$0x0], $0xffff  }
0x126: {  	v16 =	vadd.f32 v16, v23;
	v2 =	vand.u32 $0x7FFFFFFF, v2;
	v15 =	vsub.f32 v17, v15  }
0x127: {  	v0 =	vadd.f32 v2, v0  }
0x128: {  	v13 =	vsub.f32 v16, v13;
	v15 =	vand.u32 $0x7FFFFFFF, v15;
	v4 =	vadd.f32 v12, v4  }
0x129: {  	v1 =	vadd.f32 v7, v1;
	v0 =	vadd.f32 v15, v0  }
0x12a: {  	v4 =	vsub.f32 v4, v9;
	v9 =	vadd.f32 v10, v14;
	v10 =	vld [tilespmem:$0x1FFE0]  }
0x12b: {  	v13 =	vand.u32 $0x7FFFFFFF, v13;
	v1 =	vsub.f32 v1, v11  }
0x12c: {  	v0 =	vadd.f32 v13, v0  }
0x12d: {  	v7 =	vld.idx.msk [tilespmem:v8+s15+$0x0], $0xffff;
	v1 =	vand.u32 $0x7FFFFFFF, v1  }
0x12e: {  	v2 =	vld.idx.msk [tilespmem:v8+s14+$0x0], $0xffff;
	v0 =	vadd.f32 v1, v0  }
0x12f: {  	v8 =	vld.idx.msk [tilespmem:v5+s14+$0x0], $0xffff;
	v4 =	vand.u32 $0x7FFFFFFF, v4;
	v9 =	vsub.f32 v9, v10  }
0x130: {  	v5 =	vld.idx.msk [tilespmem:v5+s15+$0x0], $0xffff;
	v0 =	vadd.f32 v4, v0  }
0x131: {  	v4 =	vand.u32 $0x7FFFFFFF, v9;
	v9 =	vld [tilespmem:$0x1FFD0]  }
0x132: {  	v0 =	vadd.f32 v4, v0;
	v4 =	vld [tilespmem:$0x1FFC0];
	_ =	sdelay $0x1  }
0x133: {  	v2 =	vadd.f32 v7, v2  }
0x134: {  	v5 =	vadd.f32 v5, v8  }
0x135: {  	v11 =	vld.idx.msk [tilespmem:v3+s14+$0x0], $0xffff;
	v2 =	vsub.f32 v2, v9  }
0x136: {  	v6 =	vor.u32 $0x1F, v6;
	v3 =	vld.idx.msk [tilespmem:v3+s15+$0x0], $0xffff;
	v4 =	vsub.f32 v5, v4  }
0x137: {  	v2 =	vand.u32 $0x7FFFFFFF, v2  }
0x138: {  	v0 =	vadd.f32 v2, v0;
	v2 =	vand.u32 $0x7FFFFFFF, v4;
	v4 =	vld [tilespmem:$0x1FF80];
	_ =	sdelay $0x2  }
0x139: {  	v7 =	vld.idx.msk [tilespmem:v6+s15+$0x0], $0xffff;
	v3 =	vadd.f32 v3, v11  }
0x13a: {  	v1 =	vld.idx.msk [tilespmem:v6+s14+$0x0], $0xffff  }
0x13b: {  	v3 =	vsub.f32 v3, v4  }
0x13c: {  	v6 =	vld.idx.msk [tilespmem:v6+s16+$0x0], $0xffff;
	v0 =	vadd.f32 v2, v0  }
0x13d: {  	v3 =	vand.u32 $0x7FFFFFFF, v3  }
0x13e: {  	v0 =	vadd.f32 v3, v0;
	v3 =	vld [tilespmem:$0x1FFF0]  }
0x13f: {  	v1 =	vadd.f32 v7, v1;
	_ =	sdelay $0x1  }
0x140: {  	v1 =	vsub.f32 v1, v6;
	v2 =	vmov s22  }
0x141: {  	v2 =	vshll.u32 v2, $0x5  }
0x142: {  	v1 =	vand.u32 $0x7FFFFFFF, v1;
	v6 =	vor.u32 v3, v2  }
0x143: {  	v0 =	vadd.f32 v1, v0;
	v3 =	vor.u32 $0x1E, v6  }
0x144: {  	v5 =	vor.u32 $0x1D, v6  }
0x145: {  	v0 =	vsub.f32 $1.200000000e+01, v0;
	v12 =	vor.u32 $0x1A, v6  }
0x146: {  	s21 =	sadd.s32 $0x10, s21;
	v14 =	vor.u32 $0x19, v6  }
0x147: {  	[tilespmem:s21+$0x0] =	vst v0;
	v16 =	vor.u32 $0x18, v6  }
0x148: {  	v18 =	vor.u32 $0x17, v6;
	v63 =	vld.idx.msk [tilespmem:v3+s16+$0x0], $0xffff  }
0x149: {  	v20 =	vor.u32 $0x16, v6;
	v0 =	vld.idx.msk [tilespmem:v5+s16+$0x0], $0xffff  }
0x14a: {  	v22 =	vor.u32 $0x15, v6;
	v9 =	vld.idx.msk [tilespmem:v12+s16+$0x0], $0xffff  }
0x14b: {  	v24 =	vor.u32 $0x14, v6;
	v11 =	vld.idx.msk [tilespmem:v14+s16+$0x0], $0xffff  }
0x14c: {  	v26 =	vor.u32 $0x13, v6;
	v13 =	vld.idx.msk [tilespmem:v16+s16+$0x0], $0xffff  }
0x14d: {  	v28 =	vor.u32 $0x12, v6;
	v15 =	vld.idx.msk [tilespmem:v18+s16+$0x0], $0xffff  }
0x14e: {  	v30 =	vor.u32 $0x11, v6;
	v17 =	vld.idx.msk [tilespmem:v20+s16+$0x0], $0xffff  }
0x14f: {  	v32 =	vor.u32 $0x10, v6;
	v19 =	vld.idx.msk [tilespmem:v22+s16+$0x0], $0xffff  }
0x150: {  	v34 =	vor.u32 $0xF, v6;
	v21 =	vld.idx.msk [tilespmem:v24+s16+$0x0], $0xffff  }
0x151: {  	v36 =	vor.u32 $0xE, v6;
	v23 =	vld.idx.msk [tilespmem:v26+s16+$0x0], $0xffff  }
0x152: {  	v38 =	vor.u32 $0xD, v6;
	v25 =	vld.idx.msk [tilespmem:v28+s16+$0x0], $0xffff  }
0x153: {  	v8 =	vor.u32 $0x1C, v6;
	v27 =	vld.idx.msk [tilespmem:v30+s16+$0x0], $0xffff  }
0x154: {  	v40 =	vor.u32 $0xC, v6;
	v29 =	vld.idx.msk [tilespmem:v32+s16+$0x0], $0xffff  }
0x155: {  	v42 =	vor.u32 $0xB, v6;
	v31 =	vld.idx.msk [tilespmem:v34+s16+$0x0], $0xffff  }
0x156: {  	v44 =	vor.u32 $0xA, v6;
	v33 =	vld.idx.msk [tilespmem:v36+s16+$0x0], $0xffff  }
0x157: {  	v46 =	vor.u32 $0x9, v6;
	v35 =	vld.idx.msk [tilespmem:v38+s16+$0x0], $0xffff  }
0x158: {  	v10 =	vor.u32 $0x1B, v6;
	[tilespmem:$0x1FFC0] =	vst v0;
	v0 =	vld.idx.msk [tilespmem:v8+s16+$0x0], $0xffff  }
0x159: {  	v48 =	vor.u32 $0x8, v6;
	v37 =	vld.idx.msk [tilespmem:v40+s16+$0x0], $0xffff  }
0x15a: {  	v50 =	vor.u32 $0x7, v6;
	v39 =	vld.idx.msk [tilespmem:v42+s16+$0x0], $0xffff  }
0x15b: {  	v52 =	vor.u32 $0x6, v6;
	v41 =	vld.idx.msk [tilespmem:v44+s16+$0x0], $0xffff  }
0x15c: {  	v54 =	vor.u32 $0x5, v6;
	v43 =	vld.idx.msk [tilespmem:v46+s16+$0x0], $0xffff  }
0x15d: {  	p0 =	sne.s32 s22, $0x1F0;
	v55 =	vor.u32 $0x4, v6;
	[tilespmem:$0x1FFD0] =	vst v0;
	v0 =	vld.idx.msk [tilespmem:v10+s16+$0x0], $0xffff  }
.Ltmp0:
0x15e: {  	v45 =	vld.idx.msk [tilespmem:v48+s16+$0x0], $0xffff;
	(pc) =	sbr.rel @p0 .LBB2_2-.Ltmp0, $4  }
0x15f: {  	v47 =	vld.idx.msk [tilespmem:v50+s16+$0x0], $0xffff  }
0x160: {  	v49 =	vld.idx.msk [tilespmem:v52+s16+$0x0], $0xffff  }
0x161: {  	v51 =	vld.idx.msk [tilespmem:v54+s16+$0x0], $0xffff  }
0x162: {  	s22 =	sadd.s32 $0x10, s22;
	v56 =	vor.u32 $0x3, v6;
	v57 =	vor.u32 $0x2, v6;
	v53 =	vld.idx.msk [tilespmem:v55+s16+$0x0], $0xffff;
	[tilespmem:$0x1FFE0] =	vst v0  }
0x163: {  	_ =	sdelay $0x3  }
0x164: {  	v1 =	vld.idx.msk [tilespmem:v56+s16+$0x0], $0xffff  }
0x165: {  	v2 =	vld.idx.msk [tilespmem:v56+s14+$0x0], $0xffff  }
0x166: {  	v4 =	vld.idx.msk [tilespmem:v57+s14+$0x0], $0xffff  }
0x167: {  	v7 =	vld.idx.msk [tilespmem:v6+s15+$0x0], $0xffff  }
0x168: {  	v0 =	vor.u32 $0x1, v6;
	v60 =	vld.idx.msk [tilespmem:v6+s14+$0x0], $0xffff  }
0x169: {  	v61 =	vld.idx.msk [tilespmem:v57+s15+$0x0], $0xffff  }
0x16a: {  	v62 =	vld.idx.msk [tilespmem:v6+s16+$0x0], $0xffff  }
0x16b: {  	v56 =	vld.idx.msk [tilespmem:v56+s15+$0x0], $0xffff  }
0x16c: {  	v57 =	vld.idx.msk [tilespmem:v57+s16+$0x0], $0xffff  }
0x16d: {  	v58 =	vld.idx.msk [tilespmem:v0+s14+$0x0], $0xffff  }
0x16e: {  	v59 =	vld.idx.msk [tilespmem:v0+s15+$0x0], $0xffff  }
0x16f: {  	v0 =	vld.idx.msk [tilespmem:v0+s16+$0x0], $0xffff  }
0x170: {  	v7 =	vadd.f32 v7, v60;
	v60 =	vld.idx.msk [tilespmem:v55+s15+$0x0], $0xffff  }
0x171: {  	v4 =	vadd.f32 v61, v4;
	v61 =	vld.idx.msk [tilespmem:v54+s14+$0x0], $0xffff  }
0x172: {  	v7 =	vsub.f32 v7, v62;
	v62 =	vld.idx.msk [tilespmem:v54+s15+$0x0], $0xffff  }
0x173: {  	v2 =	vadd.f32 v56, v2;
	v56 =	vld.idx.msk [tilespmem:v52+s14+$0x0], $0xffff;
	v58 =	vadd.f32 v59, v58  }
0x174: {  	v59 =	vld.idx.msk [tilespmem:v55+s14+$0x0], $0xffff  }
0x175: {  	v54 =	vld.idx.msk [tilespmem:v34+s15+$0x0], $0xffff;
	v0 =	vsub.f32 v58, v0  }
0x176: {  	v4 =	vsub.f32 v4, v57;
	v55 =	vld.idx.msk [tilespmem:v32+s14+$0x0], $0xffff  }
0x177: {  	v7 =	vand.u32 $0x7FFFFFFF, v7;
	v61 =	vadd.f32 v62, v61;
	v62 =	vld.idx.msk [tilespmem:v48+s14+$0x0], $0xffff;
	v0 =	vand.u32 $0x7FFFFFFF, v0  }
0x178: {  	v0 =	vadd.f32 v0, v7;
	v7 =	vld.idx.msk [tilespmem:v52+s15+$0x0], $0xffff  }
0x179: {  	v1 =	vsub.f32 v2, v1;
	v4 =	vand.u32 $0x7FFFFFFF, v4;
	v2 =	vadd.f32 v60, v59;
	v59 =	vld.idx.msk [tilespmem:v50+s14+$0x0], $0xffff  }
0x17a: {  	v60 =	vld.idx.msk [tilespmem:v50+s15+$0x0], $0xffff;
	v0 =	vadd.f32 v4, v0  }
0x17b: {  	v1 =	vand.u32 $0x7FFFFFFF, v1;
	v58 =	vld.idx.msk [tilespmem:v46+s14+$0x0], $0xffff;
	v2 =	vsub.f32 v2, v53  }
0x17c: {  	v0 =	vadd.f32 v1, v0;
	v1 =	vld.idx.msk [tilespmem:v48+s15+$0x0], $0xffff  }
0x17d: {  	v57 =	vsub.f32 v61, v51;
	v61 =	vld.idx.msk [tilespmem:v42+s14+$0x0], $0xffff;
	v2 =	vand.u32 $0x7FFFFFFF, v2;
	v7 =	vadd.f32 v7, v56  }
0x17e: {  	v0 =	vadd.f32 v2, v0;
	v2 =	vld.idx.msk [tilespmem:v46+s15+$0x0], $0xffff  }
0x17f: {  	v48 =	vand.u32 $0x7FFFFFFF, v57;
	v4 =	vadd.f32 v60, v59;
	v59 =	vld.idx.msk [tilespmem:v44+s14+$0x0], $0xffff;
	v7 =	vsub.f32 v7, v49  }
0x180: {  	v60 =	vld.idx.msk [tilespmem:v44+s15+$0x0], $0xffff;
	v0 =	vadd.f32 v48, v0  }
0x181: {  	v50 =	vld.idx.msk [tilespmem:v38+s14+$0x0], $0xffff;
	v4 =	vsub.f32 v4, v47;
	v1 =	vadd.f32 v1, v62;
	v7 =	vand.u32 $0x7FFFFFFF, v7  }
0x182: {  	v62 =	vld.idx.msk [tilespmem:v42+s15+$0x0], $0xffff;
	v0 =	vadd.f32 v7, v0  }
0x183: {  	v48 =	vld.idx.msk [tilespmem:v40+s15+$0x0], $0xffff;
	v4 =	vand.u32 $0x7FFFFFFF, v4;
	v1 =	vsub.f32 v1, v45;
	v2 =	vadd.f32 v2, v58  }
0x184: {  	v45 =	vld.idx.msk [tilespmem:v40+s14+$0x0], $0xffff;
	v0 =	vadd.f32 v4, v0  }
0x185: {  	v52 =	vld.idx.msk [tilespmem:v36+s14+$0x0], $0xffff;
	v49 =	vadd.f32 v60, v59;
	v2 =	vsub.f32 v2, v43;
	v1 =	vand.u32 $0x7FFFFFFF, v1  }
0x186: {  	v0 =	vadd.f32 v1, v0;
	v1 =	vld.idx.msk [tilespmem:v38+s15+$0x0], $0xffff  }
0x187: {  	v53 =	vld.idx.msk [tilespmem:v34+s14+$0x0], $0xffff;
	v51 =	vsub.f32 v49, v41;
	v7 =	vadd.f32 v62, v61;
	v2 =	vand.u32 $0x7FFFFFFF, v2  }
0x188: {  	v0 =	vadd.f32 v2, v0;
	v2 =	vld.idx.msk [tilespmem:v36+s15+$0x0], $0xffff  }
0x189: {  	v34 =	vld.idx.msk [tilespmem:v24+s14+$0x0], $0xffff;
	v38 =	vand.u32 $0x7FFFFFFF, v51;
	v7 =	vsub.f32 v7, v39;
	v4 =	vadd.f32 v48, v45  }
0x18a: {  	v57 =	vld.idx.msk [tilespmem:v30+s14+$0x0], $0xffff;
	v0 =	vadd.f32 v38, v0  }
0x18b: {  	v56 =	vld.idx.msk [tilespmem:v32+s15+$0x0], $0xffff;
	v4 =	vsub.f32 v4, v37;
	v7 =	vand.u32 $0x7FFFFFFF, v7;
	v1 =	vadd.f32 v1, v50  }
0x18c: {  	v44 =	vld.idx.msk [tilespmem:v14+s14+$0x0], $0xffff;
	v0 =	vadd.f32 v7, v0  }
0x18d: {  	v46 =	vld.idx.msk [tilespmem:v12+s14+$0x0], $0xffff;
	v4 =	vand.u32 $0x7FFFFFFF, v4;
	v1 =	vsub.f32 v1, v35;
	v2 =	vadd.f32 v2, v52  }
0x18e: {  	v58 =	vld.idx.msk [tilespmem:v30+s15+$0x0], $0xffff;
	v0 =	vadd.f32 v4, v0  }
0x18f: {  	v59 =	vadd.f32 v54, v53;
	v60 =	vld.idx.msk [tilespmem:v28+s14+$0x0], $0xffff;
	v2 =	vsub.f32 v2, v33;
	v1 =	vand.u32 $0x7FFFFFFF, v1  }
0x190: {  	v0 =	vadd.f32 v1, v0;
	v1 =	vld.idx.msk [tilespmem:v28+s15+$0x0], $0xffff  }
0x191: {  	v61 =	vsub.f32 v59, v31;
	v62 =	vld.idx.msk [tilespmem:v26+s14+$0x0], $0xffff;
	v7 =	vadd.f32 v56, v55;
	v2 =	vand.u32 $0x7FFFFFFF, v2  }
0x192: {  	v0 =	vadd.f32 v2, v0;
	v2 =	vld.idx.msk [tilespmem:v26+s15+$0x0], $0xffff  }
0x193: {  	v47 =	vld.idx.msk [tilespmem:v12+s15+$0x0], $0xffff;
	v7 =	vsub.f32 v7, v29;
	v4 =	vadd.f32 v58, v57;
	v28 =	vand.u32 $0x7FFFFFFF, v61  }
0x194: {  	v35 =	vld.idx.msk [tilespmem:v24+s15+$0x0], $0xffff;
	v0 =	vadd.f32 v28, v0  }
0x195: {  	v36 =	vld.idx.msk [tilespmem:v22+s14+$0x0], $0xffff;
	v4 =	vsub.f32 v4, v27;
	v7 =	vand.u32 $0x7FFFFFFF, v7;
	v1 =	vadd.f32 v1, v60  }
0x196: {  	v37 =	vld.idx.msk [tilespmem:v22+s15+$0x0], $0xffff;
	v0 =	vadd.f32 v7, v0  }
0x197: {  	v39 =	vld.idx.msk [tilespmem:v20+s15+$0x0], $0xffff;
	v4 =	vand.u32 $0x7FFFFFFF, v4;
	v1 =	vsub.f32 v1, v25;
	v2 =	vadd.f32 v2, v62  }
0x198: {  	v38 =	vld.idx.msk [tilespmem:v20+s14+$0x0], $0xffff;
	v0 =	vadd.f32 v4, v0  }
0x199: {  	v41 =	vld.idx.msk [tilespmem:v18+s14+$0x0], $0xffff;
	v40 =	vadd.f32 v35, v34;
	v2 =	vsub.f32 v2, v23;
	v1 =	vand.u32 $0x7FFFFFFF, v1  }
0x19a: {  	v0 =	vadd.f32 v1, v0;
	v1 =	vld.idx.msk [tilespmem:v18+s15+$0x0], $0xffff  }
0x19b: {  	v43 =	vld.idx.msk [tilespmem:v16+s14+$0x0], $0xffff;
	v42 =	vsub.f32 v40, v21;
	v7 =	vadd.f32 v37, v36;
	v2 =	vand.u32 $0x7FFFFFFF, v2  }
0x19c: {  	v0 =	vadd.f32 v2, v0;
	v2 =	vld.idx.msk [tilespmem:v16+s15+$0x0], $0xffff  }
0x19d: {  	v54 =	vld.idx.msk [tilespmem:v5+s14+$0x0], $0xffff;
	v7 =	vsub.f32 v7, v19;
	v4 =	vadd.f32 v39, v38;
	v18 =	vand.u32 $0x7FFFFFFF, v42  }
0x19e: {  	v45 =	vld.idx.msk [tilespmem:v14+s15+$0x0], $0xffff;
	v0 =	vadd.f32 v18, v0  }
0x19f: {  	v49 =	vld.idx.msk [tilespmem:v10+s15+$0x0], $0xffff;
	v4 =	vsub.f32 v4, v17;
	v7 =	vand.u32 $0x7FFFFFFF, v7;
	v1 =	vadd.f32 v1, v41  }
0x1a0: {  	v51 =	vld.idx.msk [tilespmem:v8+s14+$0x0], $0xffff;
	v0 =	vadd.f32 v7, v0  }
0x1a1: {  	v48 =	vld.idx.msk [tilespmem:v10+s14+$0x0], $0xffff;
	v4 =	vand.u32 $0x7FFFFFFF, v4;
	v1 =	vsub.f32 v1, v15;
	v2 =	vadd.f32 v2, v43  }
0x1a2: {  	v56 =	vld.idx.msk [tilespmem:v3+s14+$0x0], $0xffff;
	v0 =	vadd.f32 v4, v0  }
0x1a3: {  	v50 =	vadd.f32 v45, v44;
	v52 =	vld.idx.msk [tilespmem:v8+s15+$0x0], $0xffff;
	v2 =	vsub.f32 v2, v13;
	v1 =	vand.u32 $0x7FFFFFFF, v1  }
0x1a4: {  	v57 =	vld [tilespmem:$0x1FFE0];
	v0 =	vadd.f32 v1, v0;
	v1 =	vor.u32 $0x1F, v6  }
0x1a5: {  	v53 =	vsub.f32 v50, v11;
	v60 =	vld [tilespmem:$0x1FFD0];
	v7 =	vadd.f32 v47, v46;
	v2 =	vand.u32 $0x7FFFFFFF, v2  }
0x1a6: {  	v0 =	vadd.f32 v2, v0;
	v2 =	vld.idx.msk [tilespmem:v5+s15+$0x0], $0xffff  }
0x1a7: {  	v3 =	vld.idx.msk [tilespmem:v3+s15+$0x0], $0xffff;
	v8 =	vand.u32 $0x7FFFFFFF, v53;
	v55 =	vsub.f32 v7, v9;
	v4 =	vadd.f32 v49, v48  }
0x1a8: {  	v61 =	vld [tilespmem:$0x1FFC0];
	v0 =	vadd.f32 v8, v0  }
0x1a9: {  	v4 =	vsub.f32 v4, v57;
	v6 =	vadd.f32 v52, v51;
	v5 =	vand.u32 $0x7FFFFFFF, v55;
	v58 =	vld.idx.msk [tilespmem:v1+s14+$0x0], $0xffff  }
0x1aa: {  	v59 =	vld.idx.msk [tilespmem:v1+s15+$0x0], $0xffff;
	v0 =	vadd.f32 v5, v0  }
0x1ab: {  	v6 =	vsub.f32 v6, v60;
	v4 =	vand.u32 $0x7FFFFFFF, v4;
	v2 =	vadd.f32 v2, v54  }
0x1ac: {  	v1 =	vld.idx.msk [tilespmem:v1+s16+$0x0], $0xffff;
	v0 =	vadd.f32 v4, v0  }
0x1ad: {  	v3 =	vadd.f32 v3, v56;
	v62 =	vand.u32 $0x7FFFFFFF, v6;
	v2 =	vsub.f32 v2, v61  }
0x1ae: {  	v0 =	vadd.f32 v62, v0  }
0x1af: {  	v3 =	vsub.f32 v3, v63;
	v63 =	vadd.f32 v59, v58;
	v2 =	vand.u32 $0x7FFFFFFF, v2  }
0x1b0: {  	v0 =	vadd.f32 v2, v0  }
0x1b1: {  	v1 =	vsub.f32 v63, v1;
	v2 =	vand.u32 $0x7FFFFFFF, v3  }
0x1b2: {  	v0 =	vadd.f32 v2, v0  }
0x1b3: {  	v1 =	vand.u32 $0x7FFFFFFF, v1  }
0x1b4: {  	v0 =	vadd.f32 v1, v0;
	_ =	sdelay $0x1  }
0x1b5: {  	s20 =	sadd.s32 $0x1, s20;
	v0 =	vsub.f32 $1.200000000e+01, v0  }
0x1b6: {  	s21 =	sadd.s32 $0x10, s21;
	p0 =	sne.s32 s20, s9  }
.Ltmp1:
0x1b7: {  	[tilespmem:s21+$0x0] =	vst v0;
	(pc) =	sbr.rel @p0 .LBB2_1-.Ltmp1, $4  }
0x1b8: {  	[hbm4b:s8+s2] =	stream.linear.scatter [tilespmem:s19], [sflag:$0x2], $0x200, $0x38;
	[tilespmem:$0xC800] =	vst v63  }
0x1b9: {  	_ =	swait.ge [sflag:s10], $0x200  }
0x1ba: {  	[sflag:s10] =	ssyncset.done $0x0  }
0x1bb: {  	v0 =	vld [tilespmem:$0x1FFF0];
	[sflag:s10] =	ssyncadd.s32 $0xFFFFFE00  }
0x1bc: {  	_ =	sfence.sel $0x180000  }
0x1bd: {  	[bflag:$0x0] =	sbarrier.arrive $0xFFFF  }
0x1be: {  	_ =	strace $0x90000047  }
0x1bf: {  	s0 =	stileid.u32;
	[bflag:$0x2] =	sbarrier.arrive $0xFFFF  }
0x1c0: {  	p0 =	sne.s32 s0, $0x0;
	s0 =	rddreg [dreg:$0x2]  }
0x1c1: {  	s0 =	sadd.s32 @!p0 $0x100000, s0  }
0x1c2: {  	[sflag:s0] =	ssyncadd.tile.s32 @!p0 $0x1;
	_ =	shalt  }
.Lfunc_end2:
_tile_overlayer_lowered:
.L_overlay_start_2:
0x1c3: {  	(tag) =	ssettag $0x2  }
0x1c4: {  	s0 =	rddreg [dreg:$0x0];
	s2 =	stileid.u32  }
0x1c5: {  	s1 =	rddreg [dreg:$0x1];
	p0 =	sne.s32 s2, $0x0  }
0x1c6: {  	s3 =	rddreg [dreg:$0x2];
	[bflag:$0x3] =	sbarrier.arrive $0xFFFF;
	s2 =	simm.s32 @!p0 $0x1C02  }
0x1c7: {  	[timem:s3], [sflag:s2] =	dma.local @!p0 [hbm:s0], s1  }
0x1c8: {  	s0 =	simm.s32 @!p0 $0x2  }
0x1c9: {  	_ =	swait.ge @!p0 [sflag:s0], s1  }
0x1ca: {  	s1 =	ssub.s32 @!p0 $0x0, s1;
	[sflag:s0] =	ssyncset.done @!p0 $0x0  }
0x1cb: {  	[sflag:s0] =	ssyncadd.s32 @!p0 s1  }
0x1cc: {  	[bflag:$0x3] =	sbarrier.arrive $0xFFFF  }
0x1cd: {  	_ =	shalt  }

</sc_bundles>
